<compile_context>
chip_gen: v7x
topology: tpu7x:2x2x1
jax: 0.10.2.dev20260603
libtpu: 0.0.44.dev20260713+nightly
codegen_flags: <defaults>
</compile_context>

<pallas_src>
import functools

import jax
import jax.numpy as jnp
from jax import lax
from jax.experimental import pallas as pl
from jax.experimental.pallas import tpu as pltpu
from jax.experimental.pallas import tpu_sc as plsc

B, L, N, C, M = 2, 10, 8192, 100, 32
NCORES, NSUB = 2, 16
NW = NCORES * NSUB
P = N // NW
HP = P // 2
CP = 128
ACC = L * M * CP
CTAIL = 84


def _sc_kernel_body(pred, masksf, zeros_acc, zeros_cnt,
                    sums_out, cnt_out,
                    mbuf, idx_ref, pbuf0, pbuf1, acc, cnt, idxs,
                    sem0, sem1):
    cid = lax.axis_index("c")
    sid = lax.axis_index("s")
    wid = sid * NCORES + cid
    p0 = wid * P

    pltpu.sync_copy(zeros_cnt, cnt)

    iota = jax.lax.broadcasted_iota(jnp.int32, (16,), 0)
    tail_keep = iota >= (2 * 16 - (C - CTAIL))
    ones16 = jnp.ones((16,), jnp.float32)

    for b in range(B):
        pltpu.sync_copy(masksf.at[b, :, pl.ds(p0, P)], mbuf)

        pass

    pbufs = (pbuf0, pbuf1)
    sems = (sem0, sem1)
    for b in range(B):
        pass

        pltpu.sync_copy(zeros_acc, acc)


        def _layer(l, _, b=b):
            for d in range(2):
                pbuf = pbufs[d]
                sem = sems[d]


                @plsc.parallel_loop(0, HP // 16, unroll=2)
                def _grp(g, d=d, l=l, pbuf=pbuf):
                    gg = d * (HP // 16) + g
                    for j in range(0):
                        mo = idxs[gg * 16 + j]
                        ab = l * M * CP + mo
                        pr = g * 16 + j
                        for k in range(C // 16):
                            v = pbuf[pr, pl.ds(k * 16, 16)]
                            plsc.addupdate(acc.at[pl.ds(ab + k * 16, 16)], v)
                        v = pbuf[pr, pl.ds(CTAIL, 16)]
                        v = jnp.where(tail_keep, v, 0.0)
                        plsc.addupdate(acc.at[pl.ds(ab + CTAIL, 16)], v)


            return 0

        lax.fori_loop(0, L, _layer, 0)

        pltpu.sync_copy(acc, sums_out.at[wid, pl.ds(b * ACC, ACC)])

    pltpu.sync_copy(cnt, cnt_out.at[wid])


def _make_sc_kernel():
    mesh = plsc.VectorSubcoreMesh(core_axis_name="c", subcore_axis_name="s")
    return pl.kernel(
        _sc_kernel_body,
        out_type=[
            jax.ShapeDtypeStruct((NW, B * ACC), jnp.float32),
            jax.ShapeDtypeStruct((NW, B * M * CP), jnp.float32),
        ],
        mesh=mesh,
        compiler_params=pltpu.CompilerParams(use_tc_tiling_on_sc=True),
        scratch_types=[
            pltpu.VMEM((M, P), jnp.float32),
            pltpu.VMEM((B * 2, 128), jnp.int32),
            pltpu.VMEM((HP, C), jnp.float32),
            pltpu.VMEM((HP, C), jnp.float32),
            pltpu.VMEM((ACC,), jnp.float32),
            pltpu.VMEM((B * M * CP,), jnp.float32),
            pltpu.SMEM((P,), jnp.int32),
            pltpu.SemaphoreType.DMA,
            pltpu.SemaphoreType.DMA,
        ],
    )


def _tc_body(sa_ref, ca_ref, sb_ref, cb_ref, o_ref):
    SA = jnp.sum(sa_ref[...], axis=0).reshape(B, L, M, CP)[..., :C]
    SB = jnp.sum(sb_ref[...], axis=0).reshape(B, L, M, CP)[..., :C]
    KA = jnp.sum(ca_ref[...], axis=0).reshape(B, M, CP)[:, :, 0:1]
    KB = jnp.sum(cb_ref[...], axis=0).reshape(B, M, CP)[:, :, 0:1]

    def means(S, Kc):
        cnt = Kc.reshape(B, 1, M, 1)
        return jnp.where(cnt > 0, S / jnp.maximum(cnt, 1.0), 0.0)

    F1 = means(SA, KA)
    F2 = means(SB, KB)

    loss = jnp.zeros((L,), jnp.float32)
    nobj = jnp.zeros((), jnp.float32)
    for b in range(B):
        f1 = F1[b]
        f2 = F2[b]
        mask_obj = jnp.logical_and(jnp.sum(f1[0], axis=1) != 0,
                                   jnp.sum(f2[0], axis=1) != 0)
        maskf = mask_obj.astype(jnp.float32)
        t1 = f1 - jnp.max(f1, axis=2, keepdims=True)
        tgt = jnp.exp(t1)
        tgt = tgt / jnp.sum(tgt, axis=2, keepdims=True)
        t2 = f2 - jnp.max(f2, axis=2, keepdims=True)
        logp = t2 - jnp.log(jnp.sum(jnp.exp(t2), axis=2, keepdims=True))
        CE = -jnp.sum(tgt * logp, axis=2)
        loss = loss + jnp.sum(CE * maskf[None, :], axis=1) / jnp.maximum(
            jnp.sum(maskf), 1.0)
        nobj = nobj + jnp.sum(maskf)
    o_ref[...] = loss / jnp.maximum(nobj, 1.0)


def _tc_tail(sa, ca, sb, cb):
    return pl.pallas_call(
        _tc_body,
        out_shape=jax.ShapeDtypeStruct((L,), jnp.float32),
    )(sa, ca, sb, cb)


@jax.jit
def kernel(pred0, pred1, masks0, masks1):
    zeros_acc = jnp.zeros((ACC,), jnp.float32)
    zeros_cnt = jnp.zeros((B * M * CP,), jnp.float32)
    sck = _make_sc_kernel()
    sa, ca = sck(pred0, masks0, zeros_acc, zeros_cnt)
    sb, cb = sck(pred1, masks1, zeros_acc, zeros_cnt)
    return _tc_tail(sa, ca, sb, cb)

# --- scband reference (transcript-rebuilt; emitter-appended) ---
"""Pipeline reference for scband-consistency-66030827209250 (READ-ONLY COPY).

The authoritative reference and input builder live on the scoring server;
editing this copy changes nothing except your own understanding.
"""

import jax, jax.numpy as jnp
import numpy as np


def scatter_mean(data, idx, M):
    # torch_scatter.scatter(..., dim=1, reduce='mean', dim_size=M): empty segments -> 0
    L, N, C = data.shape
    sums = jnp.zeros((L, M, C), data.dtype).at[:, idx, :].add(data)
    counts = jnp.zeros((M,), data.dtype).at[idx].add(1.0)
    denom = jnp.maximum(counts, 1.0)[None, :, None]
    return jnp.where(counts[None, :, None] > 0, sums / denom, 0.0)


def setup_inputs(seed: int = 0) -> dict:
    key = jax.random.key(seed)
    k0, k1, k2, k3 = jax.random.split(key, 4)
    B, L, N, C, M = 2, 10, 8192, 100, 32
    pred0 = jax.random.normal(k0, (B, L, N, C), dtype=jnp.float32)
    pred1 = jax.random.normal(k1, (B, L, N, C), dtype=jnp.float32)
    masks0 = jax.random.uniform(k2, (B, M, N), dtype=jnp.float32)
    masks1 = jax.random.uniform(k3, (B, M, N), dtype=jnp.float32)
    return {"pred0": pred0, "pred1": pred1, "masks0": masks0, "masks1": masks1}


def reference(pred0, pred1, masks0, masks1):
    # pred0: frame 0 stacked (main+aux) pred_masks [B, L, N, C] (detached in torch)
    # pred1: last frame stacked pred_masks [B, L, N, C]
    # masksF: target object masks [B, M, N]
    B, L, N, C = pred0.shape
    M = masks0.shape[1]
    loss = jnp.zeros((L,), jnp.float32)
    n_objects = jnp.zeros((), jnp.float32)
    for b in range(B):
        idx1 = jnp.argmax(masks0[b], axis=0)  # [N], per-point object id
        idx2 = jnp.argmax(masks1[b], axis=0)
        fmap1 = scatter_mean(jax.lax.stop_gradient(pred0[b]), idx1, M)  # [L, M, C]
        fmap2 = scatter_mean(pred1[b], idx2, M)
        mask_obj = jnp.logical_and(fmap1[0].sum(axis=1) != 0, fmap2[0].sum(axis=1) != 0)
        maskf = jax.lax.stop_gradient(mask_obj.astype(jnp.float32))  # [M]
        # F.cross_entropy with soft (probability) targets over the channel dim C
        tgt = jax.nn.softmax(fmap1, axis=2)
        logp = jax.nn.log_softmax(fmap2, axis=2)
        CE = -jnp.sum(tgt * logp, axis=2)  # [L, M]
        # CE[:, mask_obj].mean(1) expressed as a weighted mean (vjp/jit friendly)
        loss = loss + jnp.sum(CE * maskf[None, :], axis=1) / jnp.maximum(jnp.sum(maskf), 1.0)
        n_objects = n_objects + jnp.sum(maskf)
    # torch returns dict {loss_consistency: loss[0]/n_objects, loss_consistency_i: loss[i+1]/n_objects};
    # return the [L] vector of per-layer losses (n_objects > 0 with random inputs)
    return loss / jnp.maximum(n_objects, 1.0)

if __name__ == "__main__":
    import jax
    _d = setup_inputs()
    print(jax.jit(kernel)(*tuple(_d.values())))

</pallas_src>

<mosaic_0001>
#map = affine_map<(d0, d1) -> (0, 0, 0, 0)>
#map1 = affine_map<(d0, d1) -> (0, 0, 0)>
#map2 = affine_map<(d0, d1) -> (0)>
#map3 = affine_map<(d0, d1) -> (0, 0)>
module attributes {stable_mosaic.version = 14 : i64} {
  func.func @_sc_kernel_body(%arg0: i32, %arg1: i32, %arg2: memref<2x10x8192x100xf32, #tpu.memory_space<hbm>>, %arg3: memref<2x32x8192xf32, #tpu.memory_space<hbm>>, %arg4: memref<40960xf32, #tpu.memory_space<hbm>>, %arg5: memref<8192xf32, #tpu.memory_space<hbm>>, %arg6: memref<32x81920xf32, #tpu.memory_space<hbm>>, %arg7: memref<32x8192xf32, #tpu.memory_space<hbm>>, %arg8: memref<32x256xf32, #tpu.memory_space<vmem>>, %arg9: memref<4x128xi32, #tpu.memory_space<vmem>>, %arg10: memref<128x100xf32, #tpu.memory_space<vmem>>, %arg11: memref<128x100xf32, #tpu.memory_space<vmem>>, %arg12: memref<40960xf32, #tpu.memory_space<vmem>>, %arg13: memref<8192xf32, #tpu.memory_space<vmem>>, %arg14: memref<256xi32, #tpu.memory_space<smem>>, %arg15: memref<!tpu.dma_semaphore, #tpu.memory_space<semaphore_mem>>, %arg16: memref<!tpu.dma_semaphore, #tpu.memory_space<semaphore_mem>>) attributes {dimension_semantics = [#tpu.dimension_semantics<core_parallel>, #tpu.dimension_semantics<subcore_parallel>], iteration_bounds = array<i64: 2, 16>, scalar_prefetch = 0 : i64, scratch_operands = 9 : i64, tpu.core_type = #tpu.core_type<sc_vector_subcore>, window_params = [{transform_indices = #map}, {transform_indices = #map1}, {transform_indices = #map2}, {transform_indices = #map2}, {transform_indices = #map3}, {transform_indices = #map3}]} {
    %mul3A = arith.constant 2 : i32
    %mul3A_0 = arith.muli %arg1, %mul3A : i32
    %add3A = arith.addi %mul3A_0, %arg0 : i32
    %mul3A_1 = arith.constant 256 : i32
    %mul3A_2 = arith.muli %add3A, %mul3A_1 : i32
    "tpu.region"() ({
      %run_scoped3A_20 = tpu.sem_alloc : memref<!tpu.dma_semaphore, #tpu.memory_space<semaphore_mem>>
      tpu.enqueue_dma source(%arg5 : memref<8192xf32, #tpu.memory_space<hbm>>) target(%arg13 : memref<8192xf32, #tpu.memory_space<vmem>>) target_semaphore(%run_scoped3A_20 : memref<!tpu.dma_semaphore, #tpu.memory_space<semaphore_mem>>)
      tpu.wait_dma2 semaphore(%run_scoped3A_20 : memref<!tpu.dma_semaphore, #tpu.memory_space<semaphore_mem>>) src(%arg5 : memref<8192xf32, #tpu.memory_space<hbm>>) dst(%arg13 : memref<8192xf32, #tpu.memory_space<vmem>>)
      tpu.yield
    }) : () -> ()
    %iota3A = tpu.iota {dimensions = array<i32: 0>} : vector<16xi32>
    %ge3A = arith.constant 16 : i32
    %ge3A_3 = vector.broadcast %ge3A : i32 to vector<16xi32>
    %ge3A_4 = arith.cmpi sge, %iota3A, %ge3A_3 : vector<16xi32>
    %broadcast_in_dim3A = arith.constant 1.000000e+00 : f32
    %broadcast_in_dim3A_5 = vector.broadcast %broadcast_in_dim3A : f32 to vector<16xf32>
    %run_scoped3A = arith.constant 0 : i32
    "tpu.region"() ({
      %run_scoped3A_20 = tpu.sem_alloc : memref<!tpu.dma_semaphore, #tpu.memory_space<semaphore_mem>>
      %dma_start3A = arith.constant 0 : i32
      %dma_start3A_21 = tpu.memref_slice %arg3[%run_scoped3A, %dma_start3A, %mul3A_2] : memref<2x32x8192xf32, #tpu.memory_space<hbm>> -> memref<1x32x256xf32, #tpu.memory_space<hbm>>
      %dma_start3A_22 = tpu.memref_squeeze %dma_start3A_21 : memref<1x32x256xf32, #tpu.memory_space<hbm>> -> memref<32x256xf32, #tpu.memory_space<hbm>>
      %dma_start3A_23 = arith.constant 0 : i32
      %dma_start3A_24 = tpu.memref_slice %arg3[%run_scoped3A, %dma_start3A_23, %mul3A_2] : memref<2x32x8192xf32, #tpu.memory_space<hbm>> -> memref<1x32x256xf32, #tpu.memory_space<hbm>>
      %dma_start3A_25 = tpu.memref_squeeze %dma_start3A_24 : memref<1x32x256xf32, #tpu.memory_space<hbm>> -> memref<32x256xf32, #tpu.memory_space<hbm>>
      tpu.enqueue_dma source(%dma_start3A_25 : memref<32x256xf32, #tpu.memory_space<hbm>>) target(%arg8 : memref<32x256xf32, #tpu.memory_space<vmem>>) target_semaphore(%run_scoped3A_20 : memref<!tpu.dma_semaphore, #tpu.memory_space<semaphore_mem>>)
      %dma_wait3A = arith.constant 0 : i32
      %dma_wait3A_26 = tpu.memref_slice %arg3[%run_scoped3A, %dma_wait3A, %mul3A_2] : memref<2x32x8192xf32, #tpu.memory_space<hbm>> -> memref<1x32x256xf32, #tpu.memory_space<hbm>>
      %dma_wait3A_27 = tpu.memref_squeeze %dma_wait3A_26 : memref<1x32x256xf32, #tpu.memory_space<hbm>> -> memref<32x256xf32, #tpu.memory_space<hbm>>
      %dma_wait3A_28 = arith.constant 0 : i32
      %dma_wait3A_29 = tpu.memref_slice %arg3[%run_scoped3A, %dma_wait3A_28, %mul3A_2] : memref<2x32x8192xf32, #tpu.memory_space<hbm>> -> memref<1x32x256xf32, #tpu.memory_space<hbm>>
      %dma_wait3A_30 = tpu.memref_squeeze %dma_wait3A_29 : memref<1x32x256xf32, #tpu.memory_space<hbm>> -> memref<32x256xf32, #tpu.memory_space<hbm>>
      tpu.wait_dma2 semaphore(%run_scoped3A_20 : memref<!tpu.dma_semaphore, #tpu.memory_space<semaphore_mem>>) src(%dma_wait3A_30 : memref<32x256xf32, #tpu.memory_space<hbm>>) dst(%arg8 : memref<32x256xf32, #tpu.memory_space<vmem>>)
      tpu.yield
    }) : () -> ()
    %run_scoped3A_6 = arith.constant 1 : i32
    "tpu.region"() ({
      %run_scoped3A_20 = tpu.sem_alloc : memref<!tpu.dma_semaphore, #tpu.memory_space<semaphore_mem>>
      %dma_start3A = arith.constant 0 : i32
      %dma_start3A_21 = tpu.memref_slice %arg3[%run_scoped3A_6, %dma_start3A, %mul3A_2] : memref<2x32x8192xf32, #tpu.memory_space<hbm>> -> memref<1x32x256xf32, #tpu.memory_space<hbm>>
      %dma_start3A_22 = tpu.memref_squeeze %dma_start3A_21 : memref<1x32x256xf32, #tpu.memory_space<hbm>> -> memref<32x256xf32, #tpu.memory_space<hbm>>
      %dma_start3A_23 = arith.constant 0 : i32
      %dma_start3A_24 = tpu.memref_slice %arg3[%run_scoped3A_6, %dma_start3A_23, %mul3A_2] : memref<2x32x8192xf32, #tpu.memory_space<hbm>> -> memref<1x32x256xf32, #tpu.memory_space<hbm>>
      %dma_start3A_25 = tpu.memref_squeeze %dma_start3A_24 : memref<1x32x256xf32, #tpu.memory_space<hbm>> -> memref<32x256xf32, #tpu.memory_space<hbm>>
      tpu.enqueue_dma source(%dma_start3A_25 : memref<32x256xf32, #tpu.memory_space<hbm>>) target(%arg8 : memref<32x256xf32, #tpu.memory_space<vmem>>) target_semaphore(%run_scoped3A_20 : memref<!tpu.dma_semaphore, #tpu.memory_space<semaphore_mem>>)
      %dma_wait3A = arith.constant 0 : i32
      %dma_wait3A_26 = tpu.memref_slice %arg3[%run_scoped3A_6, %dma_wait3A, %mul3A_2] : memref<2x32x8192xf32, #tpu.memory_space<hbm>> -> memref<1x32x256xf32, #tpu.memory_space<hbm>>
      %dma_wait3A_27 = tpu.memref_squeeze %dma_wait3A_26 : memref<1x32x256xf32, #tpu.memory_space<hbm>> -> memref<32x256xf32, #tpu.memory_space<hbm>>
      %dma_wait3A_28 = arith.constant 0 : i32
      %dma_wait3A_29 = tpu.memref_slice %arg3[%run_scoped3A_6, %dma_wait3A_28, %mul3A_2] : memref<2x32x8192xf32, #tpu.memory_space<hbm>> -> memref<1x32x256xf32, #tpu.memory_space<hbm>>
      %dma_wait3A_30 = tpu.memref_squeeze %dma_wait3A_29 : memref<1x32x256xf32, #tpu.memory_space<hbm>> -> memref<32x256xf32, #tpu.memory_space<hbm>>
      tpu.wait_dma2 semaphore(%run_scoped3A_20 : memref<!tpu.dma_semaphore, #tpu.memory_space<semaphore_mem>>) src(%dma_wait3A_30 : memref<32x256xf32, #tpu.memory_space<hbm>>) dst(%arg8 : memref<32x256xf32, #tpu.memory_space<vmem>>)
      tpu.yield
    }) : () -> ()
    "tpu.region"() ({
      %run_scoped3A_20 = tpu.sem_alloc : memref<!tpu.dma_semaphore, #tpu.memory_space<semaphore_mem>>
      tpu.enqueue_dma source(%arg4 : memref<40960xf32, #tpu.memory_space<hbm>>) target(%arg12 : memref<40960xf32, #tpu.memory_space<vmem>>) target_semaphore(%run_scoped3A_20 : memref<!tpu.dma_semaphore, #tpu.memory_space<semaphore_mem>>)
      tpu.wait_dma2 semaphore(%run_scoped3A_20 : memref<!tpu.dma_semaphore, #tpu.memory_space<semaphore_mem>>) src(%arg4 : memref<40960xf32, #tpu.memory_space<hbm>>) dst(%arg12 : memref<40960xf32, #tpu.memory_space<vmem>>)
      tpu.yield
    }) : () -> ()
    %scan3A = arith.constant 0 : i32
    %scan3A_7 = arith.constant 0 : i32
    %scan3A_8 = arith.constant 10 : i32
    %scan3A_9 = arith.addi %scan3A_7, %scan3A_8 : i32
    %scan3A_10 = arith.constant 1 : i32
    %scan3A_11 = scf.for %scan3A_20 = %scan3A_7 to %scan3A_9 step %scan3A_10 iter_args(%scan3A_21 = %scan3A) -> (i32)  : i32 {
      %parallel_loop3A = arith.constant 0 : i32
      %parallel_loop3A_22 = arith.constant 8 : i32
      %parallel_loop3A_23 = arith.constant 1 : i32
      scf.for %parallel_loop3A_28 = %parallel_loop3A to %parallel_loop3A_22 step %parallel_loop3A_23  : i32 {
        %parallel_loop3A_29 = arith.constant 0 : i32
        %parallel_loop3A_30 = arith.addi %parallel_loop3A_29, %parallel_loop3A_28 : i32
      } {sc.loop_unroll_factor = 2 : i64, sc.parallel_access}
      %parallel_loop3A_24 = arith.constant 0 : i32
      %parallel_loop3A_25 = arith.constant 8 : i32
      %parallel_loop3A_26 = arith.constant 1 : i32
      scf.for %parallel_loop3A_28 = %parallel_loop3A_24 to %parallel_loop3A_25 step %parallel_loop3A_26  : i32 {
        %parallel_loop3A_29 = arith.constant 8 : i32
        %parallel_loop3A_30 = arith.addi %parallel_loop3A_29, %parallel_loop3A_28 : i32
      } {sc.loop_unroll_factor = 2 : i64, sc.parallel_access}
      %scan3A_27 = arith.constant 0 : i32
      scf.yield %scan3A_27 : i32
    }
    %scan3A_12 = arith.constant 10 : i32
    "tpu.region"() ({
      %run_scoped3A_20 = tpu.sem_alloc : memref<!tpu.dma_semaphore, #tpu.memory_space<semaphore_mem>>
      %dma_start3A = arith.constant 0 : i32
      %dma_start3A_21 = tpu.memref_slice %arg6[%add3A, %dma_start3A] : memref<32x81920xf32, #tpu.memory_space<hbm>> -> memref<1x40960xf32, #tpu.memory_space<hbm>>
      %dma_start3A_22 = tpu.memref_squeeze %dma_start3A_21 : memref<1x40960xf32, #tpu.memory_space<hbm>> -> memref<40960xf32, #tpu.memory_space<hbm>>
      %dma_start3A_23 = arith.constant 0 : i32
      %dma_start3A_24 = tpu.memref_slice %arg6[%add3A, %dma_start3A_23] : memref<32x81920xf32, #tpu.memory_space<hbm>> -> memref<1x40960xf32, #tpu.memory_space<hbm>>
      %dma_start3A_25 = tpu.memref_squeeze %dma_start3A_24 : memref<1x40960xf32, #tpu.memory_space<hbm>> -> memref<40960xf32, #tpu.memory_space<hbm>>
      tpu.enqueue_dma source(%arg12 : memref<40960xf32, #tpu.memory_space<vmem>>) target(%dma_start3A_25 : memref<40960xf32, #tpu.memory_space<hbm>>) target_semaphore(%run_scoped3A_20 : memref<!tpu.dma_semaphore, #tpu.memory_space<semaphore_mem>>)
      %dma_wait3A = arith.constant 0 : i32
      %dma_wait3A_26 = tpu.memref_slice %arg6[%add3A, %dma_wait3A] : memref<32x81920xf32, #tpu.memory_space<hbm>> -> memref<1x40960xf32, #tpu.memory_space<hbm>>
      %dma_wait3A_27 = tpu.memref_squeeze %dma_wait3A_26 : memref<1x40960xf32, #tpu.memory_space<hbm>> -> memref<40960xf32, #tpu.memory_space<hbm>>
      %dma_wait3A_28 = arith.constant 0 : i32
      %dma_wait3A_29 = tpu.memref_slice %arg6[%add3A, %dma_wait3A_28] : memref<32x81920xf32, #tpu.memory_space<hbm>> -> memref<1x40960xf32, #tpu.memory_space<hbm>>
      %dma_wait3A_30 = tpu.memref_squeeze %dma_wait3A_29 : memref<1x40960xf32, #tpu.memory_space<hbm>> -> memref<40960xf32, #tpu.memory_space<hbm>>
      tpu.wait_dma2 semaphore(%run_scoped3A_20 : memref<!tpu.dma_semaphore, #tpu.memory_space<semaphore_mem>>) src(%arg12 : memref<40960xf32, #tpu.memory_space<vmem>>) dst(%dma_wait3A_30 : memref<40960xf32, #tpu.memory_space<hbm>>)
      tpu.yield
    }) : () -> ()
    "tpu.region"() ({
      %run_scoped3A_20 = tpu.sem_alloc : memref<!tpu.dma_semaphore, #tpu.memory_space<semaphore_mem>>
      tpu.enqueue_dma source(%arg4 : memref<40960xf32, #tpu.memory_space<hbm>>) target(%arg12 : memref<40960xf32, #tpu.memory_space<vmem>>) target_semaphore(%run_scoped3A_20 : memref<!tpu.dma_semaphore, #tpu.memory_space<semaphore_mem>>)
      tpu.wait_dma2 semaphore(%run_scoped3A_20 : memref<!tpu.dma_semaphore, #tpu.memory_space<semaphore_mem>>) src(%arg4 : memref<40960xf32, #tpu.memory_space<hbm>>) dst(%arg12 : memref<40960xf32, #tpu.memory_space<vmem>>)
      tpu.yield
    }) : () -> ()
    %scan3A_13 = arith.constant 0 : i32
    %scan3A_14 = arith.constant 0 : i32
    %scan3A_15 = arith.constant 10 : i32
    %scan3A_16 = arith.addi %scan3A_14, %scan3A_15 : i32
    %scan3A_17 = arith.constant 1 : i32
    %scan3A_18 = scf.for %scan3A_20 = %scan3A_14 to %scan3A_16 step %scan3A_17 iter_args(%scan3A_21 = %scan3A_13) -> (i32)  : i32 {
      %parallel_loop3A = arith.constant 0 : i32
      %parallel_loop3A_22 = arith.constant 8 : i32
      %parallel_loop3A_23 = arith.constant 1 : i32
      scf.for %parallel_loop3A_28 = %parallel_loop3A to %parallel_loop3A_22 step %parallel_loop3A_23  : i32 {
        %parallel_loop3A_29 = arith.constant 0 : i32
        %parallel_loop3A_30 = arith.addi %parallel_loop3A_29, %parallel_loop3A_28 : i32
      } {sc.loop_unroll_factor = 2 : i64, sc.parallel_access}
      %parallel_loop3A_24 = arith.constant 0 : i32
      %parallel_loop3A_25 = arith.constant 8 : i32
      %parallel_loop3A_26 = arith.constant 1 : i32
      scf.for %parallel_loop3A_28 = %parallel_loop3A_24 to %parallel_loop3A_25 step %parallel_loop3A_26  : i32 {
        %parallel_loop3A_29 = arith.constant 8 : i32
        %parallel_loop3A_30 = arith.addi %parallel_loop3A_29, %parallel_loop3A_28 : i32
      } {sc.loop_unroll_factor = 2 : i64, sc.parallel_access}
      %scan3A_27 = arith.constant 0 : i32
      scf.yield %scan3A_27 : i32
    }
    %scan3A_19 = arith.constant 10 : i32
    "tpu.region"() ({
      %run_scoped3A_20 = tpu.sem_alloc : memref<!tpu.dma_semaphore, #tpu.memory_space<semaphore_mem>>
      %dma_start3A = arith.constant 40960 : i32
      %dma_start3A_21 = tpu.memref_slice %arg6[%add3A, %dma_start3A] : memref<32x81920xf32, #tpu.memory_space<hbm>> -> memref<1x40960xf32, #tpu.memory_space<hbm>>
      %dma_start3A_22 = tpu.memref_squeeze %dma_start3A_21 : memref<1x40960xf32, #tpu.memory_space<hbm>> -> memref<40960xf32, #tpu.memory_space<hbm>>
      %dma_start3A_23 = arith.constant 40960 : i32
      %dma_start3A_24 = tpu.memref_slice %arg6[%add3A, %dma_start3A_23] : memref<32x81920xf32, #tpu.memory_space<hbm>> -> memref<1x40960xf32, #tpu.memory_space<hbm>>
      %dma_start3A_25 = tpu.memref_squeeze %dma_start3A_24 : memref<1x40960xf32, #tpu.memory_space<hbm>> -> memref<40960xf32, #tpu.memory_space<hbm>>
      tpu.enqueue_dma source(%arg12 : memref<40960xf32, #tpu.memory_space<vmem>>) target(%dma_start3A_25 : memref<40960xf32, #tpu.memory_space<hbm>>) target_semaphore(%run_scoped3A_20 : memref<!tpu.dma_semaphore, #tpu.memory_space<semaphore_mem>>)
      %dma_wait3A = arith.constant 40960 : i32
      %dma_wait3A_26 = tpu.memref_slice %arg6[%add3A, %dma_wait3A] : memref<32x81920xf32, #tpu.memory_space<hbm>> -> memref<1x40960xf32, #tpu.memory_space<hbm>>
      %dma_wait3A_27 = tpu.memref_squeeze %dma_wait3A_26 : memref<1x40960xf32, #tpu.memory_space<hbm>> -> memref<40960xf32, #tpu.memory_space<hbm>>
      %dma_wait3A_28 = arith.constant 40960 : i32
      %dma_wait3A_29 = tpu.memref_slice %arg6[%add3A, %dma_wait3A_28] : memref<32x81920xf32, #tpu.memory_space<hbm>> -> memref<1x40960xf32, #tpu.memory_space<hbm>>
      %dma_wait3A_30 = tpu.memref_squeeze %dma_wait3A_29 : memref<1x40960xf32, #tpu.memory_space<hbm>> -> memref<40960xf32, #tpu.memory_space<hbm>>
      tpu.wait_dma2 semaphore(%run_scoped3A_20 : memref<!tpu.dma_semaphore, #tpu.memory_space<semaphore_mem>>) src(%arg12 : memref<40960xf32, #tpu.memory_space<vmem>>) dst(%dma_wait3A_30 : memref<40960xf32, #tpu.memory_space<hbm>>)
      tpu.yield
    }) : () -> ()
    "tpu.region"() ({
      %run_scoped3A_20 = tpu.sem_alloc : memref<!tpu.dma_semaphore, #tpu.memory_space<semaphore_mem>>
      %dma_start3A = arith.constant 0 : i32
      %dma_start3A_21 = tpu.memref_slice %arg7[%add3A, %dma_start3A] : memref<32x8192xf32, #tpu.memory_space<hbm>> -> memref<1x8192xf32, #tpu.memory_space<hbm>>
      %dma_start3A_22 = tpu.memref_squeeze %dma_start3A_21 : memref<1x8192xf32, #tpu.memory_space<hbm>> -> memref<8192xf32, #tpu.memory_space<hbm>>
      %dma_start3A_23 = arith.constant 0 : i32
      %dma_start3A_24 = tpu.memref_slice %arg7[%add3A, %dma_start3A_23] : memref<32x8192xf32, #tpu.memory_space<hbm>> -> memref<1x8192xf32, #tpu.memory_space<hbm>>
      %dma_start3A_25 = tpu.memref_squeeze %dma_start3A_24 : memref<1x8192xf32, #tpu.memory_space<hbm>> -> memref<8192xf32, #tpu.memory_space<hbm>>
      tpu.enqueue_dma source(%arg13 : memref<8192xf32, #tpu.memory_space<vmem>>) target(%dma_start3A_25 : memref<8192xf32, #tpu.memory_space<hbm>>) target_semaphore(%run_scoped3A_20 : memref<!tpu.dma_semaphore, #tpu.memory_space<semaphore_mem>>)
      %dma_wait3A = arith.constant 0 : i32
      %dma_wait3A_26 = tpu.memref_slice %arg7[%add3A, %dma_wait3A] : memref<32x8192xf32, #tpu.memory_space<hbm>> -> memref<1x8192xf32, #tpu.memory_space<hbm>>
      %dma_wait3A_27 = tpu.memref_squeeze %dma_wait3A_26 : memref<1x8192xf32, #tpu.memory_space<hbm>> -> memref<8192xf32, #tpu.memory_space<hbm>>
      %dma_wait3A_28 = arith.constant 0 : i32
      %dma_wait3A_29 = tpu.memref_slice %arg7[%add3A, %dma_wait3A_28] : memref<32x8192xf32, #tpu.memory_space<hbm>> -> memref<1x8192xf32, #tpu.memory_space<hbm>>
      %dma_wait3A_30 = tpu.memref_squeeze %dma_wait3A_29 : memref<1x8192xf32, #tpu.memory_space<hbm>> -> memref<8192xf32, #tpu.memory_space<hbm>>
      tpu.wait_dma2 semaphore(%run_scoped3A_20 : memref<!tpu.dma_semaphore, #tpu.memory_space<semaphore_mem>>) src(%arg13 : memref<8192xf32, #tpu.memory_space<vmem>>) dst(%dma_wait3A_30 : memref<8192xf32, #tpu.memory_space<hbm>>)
      tpu.yield
    }) : () -> ()
    return
  }
}

#map = affine_map<(d0, d1) -> (0, 0, 0, 0)>
#map1 = affine_map<(d0, d1) -> (0, 0, 0)>
#map2 = affine_map<(d0, d1) -> (0)>
#map3 = affine_map<(d0, d1) -> (0, 0)>
module attributes {stable_mosaic.version = 14 : i64} {
  func.func @_sc_kernel_body(%arg0: i32, %arg1: i32, %arg2: memref<2x10x8192x100xf32, #tpu.memory_space<hbm>>, %arg3: memref<2x32x8192xf32, #tpu.memory_space<hbm>>, %arg4: memref<40960xf32, #tpu.memory_space<hbm>>, %arg5: memref<8192xf32, #tpu.memory_space<hbm>>, %arg6: memref<32x81920xf32, #tpu.memory_space<hbm>>, %arg7: memref<32x8192xf32, #tpu.memory_space<hbm>>, %arg8: memref<32x256xf32, #tpu.memory_space<vmem>>, %arg9: memref<4x128xi32, #tpu.memory_space<vmem>>, %arg10: memref<128x100xf32, #tpu.memory_space<vmem>>, %arg11: memref<128x100xf32, #tpu.memory_space<vmem>>, %arg12: memref<40960xf32, #tpu.memory_space<vmem>>, %arg13: memref<8192xf32, #tpu.memory_space<vmem>>, %arg14: memref<256xi32, #tpu.memory_space<smem>>, %arg15: memref<!tpu.dma_semaphore, #tpu.memory_space<semaphore_mem>>, %arg16: memref<!tpu.dma_semaphore, #tpu.memory_space<semaphore_mem>>) attributes {dimension_semantics = [#tpu.dimension_semantics<core_parallel>, #tpu.dimension_semantics<subcore_parallel>], iteration_bounds = array<i64: 2, 16>, scalar_prefetch = 0 : i64, scratch_operands = 9 : i64, tpu.core_type = #tpu.core_type<sc_vector_subcore>, window_params = [{transform_indices = #map}, {transform_indices = #map1}, {transform_indices = #map2}, {transform_indices = #map2}, {transform_indices = #map3}, {transform_indices = #map3}]} {
    %mul3A = arith.constant 2 : i32
    %mul3A_0 = arith.muli %arg1, %mul3A : i32
    %add3A = arith.addi %mul3A_0, %arg0 : i32
    %mul3A_1 = arith.constant 256 : i32
    %mul3A_2 = arith.muli %add3A, %mul3A_1 : i32
    "tpu.region"() ({
      %run_scoped3A_20 = tpu.sem_alloc : memref<!tpu.dma_semaphore, #tpu.memory_space<semaphore_mem>>
      tpu.enqueue_dma source(%arg5 : memref<8192xf32, #tpu.memory_space<hbm>>) target(%arg13 : memref<8192xf32, #tpu.memory_space<vmem>>) target_semaphore(%run_scoped3A_20 : memref<!tpu.dma_semaphore, #tpu.memory_space<semaphore_mem>>)
      tpu.wait_dma2 semaphore(%run_scoped3A_20 : memref<!tpu.dma_semaphore, #tpu.memory_space<semaphore_mem>>) src(%arg5 : memref<8192xf32, #tpu.memory_space<hbm>>) dst(%arg13 : memref<8192xf32, #tpu.memory_space<vmem>>)
      tpu.yield
    }) : () -> ()
    %iota3A = tpu.iota {dimensions = array<i32: 0>} : vector<16xi32>
    %ge3A = arith.constant 16 : i32
    %ge3A_3 = vector.broadcast %ge3A : i32 to vector<16xi32>
    %ge3A_4 = arith.cmpi sge, %iota3A, %ge3A_3 : vector<16xi32>
    %broadcast_in_dim3A = arith.constant 1.000000e+00 : f32
    %broadcast_in_dim3A_5 = vector.broadcast %broadcast_in_dim3A : f32 to vector<16xf32>
    %run_scoped3A = arith.constant 0 : i32
    "tpu.region"() ({
      %run_scoped3A_20 = tpu.sem_alloc : memref<!tpu.dma_semaphore, #tpu.memory_space<semaphore_mem>>
      %dma_start3A = arith.constant 0 : i32
      %dma_start3A_21 = tpu.memref_slice %arg3[%run_scoped3A, %dma_start3A, %mul3A_2] : memref<2x32x8192xf32, #tpu.memory_space<hbm>> -> memref<1x32x256xf32, #tpu.memory_space<hbm>>
      %dma_start3A_22 = tpu.memref_squeeze %dma_start3A_21 : memref<1x32x256xf32, #tpu.memory_space<hbm>> -> memref<32x256xf32, #tpu.memory_space<hbm>>
      %dma_start3A_23 = arith.constant 0 : i32
      %dma_start3A_24 = tpu.memref_slice %arg3[%run_scoped3A, %dma_start3A_23, %mul3A_2] : memref<2x32x8192xf32, #tpu.memory_space<hbm>> -> memref<1x32x256xf32, #tpu.memory_space<hbm>>
      %dma_start3A_25 = tpu.memref_squeeze %dma_start3A_24 : memref<1x32x256xf32, #tpu.memory_space<hbm>> -> memref<32x256xf32, #tpu.memory_space<hbm>>
      tpu.enqueue_dma source(%dma_start3A_25 : memref<32x256xf32, #tpu.memory_space<hbm>>) target(%arg8 : memref<32x256xf32, #tpu.memory_space<vmem>>) target_semaphore(%run_scoped3A_20 : memref<!tpu.dma_semaphore, #tpu.memory_space<semaphore_mem>>)
      %dma_wait3A = arith.constant 0 : i32
      %dma_wait3A_26 = tpu.memref_slice %arg3[%run_scoped3A, %dma_wait3A, %mul3A_2] : memref<2x32x8192xf32, #tpu.memory_space<hbm>> -> memref<1x32x256xf32, #tpu.memory_space<hbm>>
      %dma_wait3A_27 = tpu.memref_squeeze %dma_wait3A_26 : memref<1x32x256xf32, #tpu.memory_space<hbm>> -> memref<32x256xf32, #tpu.memory_space<hbm>>
      %dma_wait3A_28 = arith.constant 0 : i32
      %dma_wait3A_29 = tpu.memref_slice %arg3[%run_scoped3A, %dma_wait3A_28, %mul3A_2] : memref<2x32x8192xf32, #tpu.memory_space<hbm>> -> memref<1x32x256xf32, #tpu.memory_space<hbm>>
      %dma_wait3A_30 = tpu.memref_squeeze %dma_wait3A_29 : memref<1x32x256xf32, #tpu.memory_space<hbm>> -> memref<32x256xf32, #tpu.memory_space<hbm>>
      tpu.wait_dma2 semaphore(%run_scoped3A_20 : memref<!tpu.dma_semaphore, #tpu.memory_space<semaphore_mem>>) src(%dma_wait3A_30 : memref<32x256xf32, #tpu.memory_space<hbm>>) dst(%arg8 : memref<32x256xf32, #tpu.memory_space<vmem>>)
      tpu.yield
    }) : () -> ()
    %run_scoped3A_6 = arith.constant 1 : i32
    "tpu.region"() ({
      %run_scoped3A_20 = tpu.sem_alloc : memref<!tpu.dma_semaphore, #tpu.memory_space<semaphore_mem>>
      %dma_start3A = arith.constant 0 : i32
      %dma_start3A_21 = tpu.memref_slice %arg3[%run_scoped3A_6, %dma_start3A, %mul3A_2] : memref<2x32x8192xf32, #tpu.memory_space<hbm>> -> memref<1x32x256xf32, #tpu.memory_space<hbm>>
      %dma_start3A_22 = tpu.memref_squeeze %dma_start3A_21 : memref<1x32x256xf32, #tpu.memory_space<hbm>> -> memref<32x256xf32, #tpu.memory_space<hbm>>
      %dma_start3A_23 = arith.constant 0 : i32
      %dma_start3A_24 = tpu.memref_slice %arg3[%run_scoped3A_6, %dma_start3A_23, %mul3A_2] : memref<2x32x8192xf32, #tpu.memory_space<hbm>> -> memref<1x32x256xf32, #tpu.memory_space<hbm>>
      %dma_start3A_25 = tpu.memref_squeeze %dma_start3A_24 : memref<1x32x256xf32, #tpu.memory_space<hbm>> -> memref<32x256xf32, #tpu.memory_space<hbm>>
      tpu.enqueue_dma source(%dma_start3A_25 : memref<32x256xf32, #tpu.memory_space<hbm>>) target(%arg8 : memref<32x256xf32, #tpu.memory_space<vmem>>) target_semaphore(%run_scoped3A_20 : memref<!tpu.dma_semaphore, #tpu.memory_space<semaphore_mem>>)
      %dma_wait3A = arith.constant 0 : i32
      %dma_wait3A_26 = tpu.memref_slice %arg3[%run_scoped3A_6, %dma_wait3A, %mul3A_2] : memref<2x32x8192xf32, #tpu.memory_space<hbm>> -> memref<1x32x256xf32, #tpu.memory_space<hbm>>
      %dma_wait3A_27 = tpu.memref_squeeze %dma_wait3A_26 : memref<1x32x256xf32, #tpu.memory_space<hbm>> -> memref<32x256xf32, #tpu.memory_space<hbm>>
      %dma_wait3A_28 = arith.constant 0 : i32
      %dma_wait3A_29 = tpu.memref_slice %arg3[%run_scoped3A_6, %dma_wait3A_28, %mul3A_2] : memref<2x32x8192xf32, #tpu.memory_space<hbm>> -> memref<1x32x256xf32, #tpu.memory_space<hbm>>
      %dma_wait3A_30 = tpu.memref_squeeze %dma_wait3A_29 : memref<1x32x256xf32, #tpu.memory_space<hbm>> -> memref<32x256xf32, #tpu.memory_space<hbm>>
      tpu.wait_dma2 semaphore(%run_scoped3A_20 : memref<!tpu.dma_semaphore, #tpu.memory_space<semaphore_mem>>) src(%dma_wait3A_30 : memref<32x256xf32, #tpu.memory_space<hbm>>) dst(%arg8 : memref<32x256xf32, #tpu.memory_space<vmem>>)
      tpu.yield
    }) : () -> ()
    "tpu.region"() ({
      %run_scoped3A_20 = tpu.sem_alloc : memref<!tpu.dma_semaphore, #tpu.memory_space<semaphore_mem>>
      tpu.enqueue_dma source(%arg4 : memref<40960xf32, #tpu.memory_space<hbm>>) target(%arg12 : memref<40960xf32, #tpu.memory_space<vmem>>) target_semaphore(%run_scoped3A_20 : memref<!tpu.dma_semaphore, #tpu.memory_space<semaphore_mem>>)
      tpu.wait_dma2 semaphore(%run_scoped3A_20 : memref<!tpu.dma_semaphore, #tpu.memory_space<semaphore_mem>>) src(%arg4 : memref<40960xf32, #tpu.memory_space<hbm>>) dst(%arg12 : memref<40960xf32, #tpu.memory_space<vmem>>)
      tpu.yield
    }) : () -> ()
    %scan3A = arith.constant 0 : i32
    %scan3A_7 = arith.constant 0 : i32
    %scan3A_8 = arith.constant 10 : i32
    %scan3A_9 = arith.addi %scan3A_7, %scan3A_8 : i32
    %scan3A_10 = arith.constant 1 : i32
    %scan3A_11 = scf.for %scan3A_20 = %scan3A_7 to %scan3A_9 step %scan3A_10 iter_args(%scan3A_21 = %scan3A) -> (i32)  : i32 {
      %parallel_loop3A = arith.constant 0 : i32
      %parallel_loop3A_22 = arith.constant 8 : i32
      %parallel_loop3A_23 = arith.constant 1 : i32
      scf.for %parallel_loop3A_28 = %parallel_loop3A to %parallel_loop3A_22 step %parallel_loop3A_23  : i32 {
        %parallel_loop3A_29 = arith.constant 0 : i32
        %parallel_loop3A_30 = arith.addi %parallel_loop3A_29, %parallel_loop3A_28 : i32
      } {sc.loop_unroll_factor = 2 : i64, sc.parallel_access}
      %parallel_loop3A_24 = arith.constant 0 : i32
      %parallel_loop3A_25 = arith.constant 8 : i32
      %parallel_loop3A_26 = arith.constant 1 : i32
      scf.for %parallel_loop3A_28 = %parallel_loop3A_24 to %parallel_loop3A_25 step %parallel_loop3A_26  : i32 {
        %parallel_loop3A_29 = arith.constant 8 : i32
        %parallel_loop3A_30 = arith.addi %parallel_loop3A_29, %parallel_loop3A_28 : i32
      } {sc.loop_unroll_factor = 2 : i64, sc.parallel_access}
      %scan3A_27 = arith.constant 0 : i32
      scf.yield %scan3A_27 : i32
    }
    %scan3A_12 = arith.constant 10 : i32
    "tpu.region"() ({
      %run_scoped3A_20 = tpu.sem_alloc : memref<!tpu.dma_semaphore, #tpu.memory_space<semaphore_mem>>
      %dma_start3A = arith.constant 0 : i32
      %dma_start3A_21 = tpu.memref_slice %arg6[%add3A, %dma_start3A] : memref<32x81920xf32, #tpu.memory_space<hbm>> -> memref<1x40960xf32, #tpu.memory_space<hbm>>
      %dma_start3A_22 = tpu.memref_squeeze %dma_start3A_21 : memref<1x40960xf32, #tpu.memory_space<hbm>> -> memref<40960xf32, #tpu.memory_space<hbm>>
      %dma_start3A_23 = arith.constant 0 : i32
      %dma_start3A_24 = tpu.memref_slice %arg6[%add3A, %dma_start3A_23] : memref<32x81920xf32, #tpu.memory_space<hbm>> -> memref<1x40960xf32, #tpu.memory_space<hbm>>
      %dma_start3A_25 = tpu.memref_squeeze %dma_start3A_24 : memref<1x40960xf32, #tpu.memory_space<hbm>> -> memref<40960xf32, #tpu.memory_space<hbm>>
      tpu.enqueue_dma source(%arg12 : memref<40960xf32, #tpu.memory_space<vmem>>) target(%dma_start3A_25 : memref<40960xf32, #tpu.memory_space<hbm>>) target_semaphore(%run_scoped3A_20 : memref<!tpu.dma_semaphore, #tpu.memory_space<semaphore_mem>>)
      %dma_wait3A = arith.constant 0 : i32
      %dma_wait3A_26 = tpu.memref_slice %arg6[%add3A, %dma_wait3A] : memref<32x81920xf32, #tpu.memory_space<hbm>> -> memref<1x40960xf32, #tpu.memory_space<hbm>>
      %dma_wait3A_27 = tpu.memref_squeeze %dma_wait3A_26 : memref<1x40960xf32, #tpu.memory_space<hbm>> -> memref<40960xf32, #tpu.memory_space<hbm>>
      %dma_wait3A_28 = arith.constant 0 : i32
      %dma_wait3A_29 = tpu.memref_slice %arg6[%add3A, %dma_wait3A_28] : memref<32x81920xf32, #tpu.memory_space<hbm>> -> memref<1x40960xf32, #tpu.memory_space<hbm>>
      %dma_wait3A_30 = tpu.memref_squeeze %dma_wait3A_29 : memref<1x40960xf32, #tpu.memory_space<hbm>> -> memref<40960xf32, #tpu.memory_space<hbm>>
      tpu.wait_dma2 semaphore(%run_scoped3A_20 : memref<!tpu.dma_semaphore, #tpu.memory_space<semaphore_mem>>) src(%arg12 : memref<40960xf32, #tpu.memory_space<vmem>>) dst(%dma_wait3A_30 : memref<40960xf32, #tpu.memory_space<hbm>>)
      tpu.yield
    }) : () -> ()
    "tpu.region"() ({
      %run_scoped3A_20 = tpu.sem_alloc : memref<!tpu.dma_semaphore, #tpu.memory_space<semaphore_mem>>
      tpu.enqueue_dma source(%arg4 : memref<40960xf32, #tpu.memory_space<hbm>>) target(%arg12 : memref<40960xf32, #tpu.memory_space<vmem>>) target_semaphore(%run_scoped3A_20 : memref<!tpu.dma_semaphore, #tpu.memory_space<semaphore_mem>>)
      tpu.wait_dma2 semaphore(%run_scoped3A_20 : memref<!tpu.dma_semaphore, #tpu.memory_space<semaphore_mem>>) src(%arg4 : memref<40960xf32, #tpu.memory_space<hbm>>) dst(%arg12 : memref<40960xf32, #tpu.memory_space<vmem>>)
      tpu.yield
    }) : () -> ()
    %scan3A_13 = arith.constant 0 : i32
    %scan3A_14 = arith.constant 0 : i32
    %scan3A_15 = arith.constant 10 : i32
    %scan3A_16 = arith.addi %scan3A_14, %scan3A_15 : i32
    %scan3A_17 = arith.constant 1 : i32
    %scan3A_18 = scf.for %scan3A_20 = %scan3A_14 to %scan3A_16 step %scan3A_17 iter_args(%scan3A_21 = %scan3A_13) -> (i32)  : i32 {
      %parallel_loop3A = arith.constant 0 : i32
      %parallel_loop3A_22 = arith.constant 8 : i32
      %parallel_loop3A_23 = arith.constant 1 : i32
      scf.for %parallel_loop3A_28 = %parallel_loop3A to %parallel_loop3A_22 step %parallel_loop3A_23  : i32 {
        %parallel_loop3A_29 = arith.constant 0 : i32
        %parallel_loop3A_30 = arith.addi %parallel_loop3A_29, %parallel_loop3A_28 : i32
      } {sc.loop_unroll_factor = 2 : i64, sc.parallel_access}
      %parallel_loop3A_24 = arith.constant 0 : i32
      %parallel_loop3A_25 = arith.constant 8 : i32
      %parallel_loop3A_26 = arith.constant 1 : i32
      scf.for %parallel_loop3A_28 = %parallel_loop3A_24 to %parallel_loop3A_25 step %parallel_loop3A_26  : i32 {
        %parallel_loop3A_29 = arith.constant 8 : i32
        %parallel_loop3A_30 = arith.addi %parallel_loop3A_29, %parallel_loop3A_28 : i32
      } {sc.loop_unroll_factor = 2 : i64, sc.parallel_access}
      %scan3A_27 = arith.constant 0 : i32
      scf.yield %scan3A_27 : i32
    }
    %scan3A_19 = arith.constant 10 : i32
    "tpu.region"() ({
      %run_scoped3A_20 = tpu.sem_alloc : memref<!tpu.dma_semaphore, #tpu.memory_space<semaphore_mem>>
      %dma_start3A = arith.constant 40960 : i32
      %dma_start3A_21 = tpu.memref_slice %arg6[%add3A, %dma_start3A] : memref<32x81920xf32, #tpu.memory_space<hbm>> -> memref<1x40960xf32, #tpu.memory_space<hbm>>
      %dma_start3A_22 = tpu.memref_squeeze %dma_start3A_21 : memref<1x40960xf32, #tpu.memory_space<hbm>> -> memref<40960xf32, #tpu.memory_space<hbm>>
      %dma_start3A_23 = arith.constant 40960 : i32
      %dma_start3A_24 = tpu.memref_slice %arg6[%add3A, %dma_start3A_23] : memref<32x81920xf32, #tpu.memory_space<hbm>> -> memref<1x40960xf32, #tpu.memory_space<hbm>>
      %dma_start3A_25 = tpu.memref_squeeze %dma_start3A_24 : memref<1x40960xf32, #tpu.memory_space<hbm>> -> memref<40960xf32, #tpu.memory_space<hbm>>
      tpu.enqueue_dma source(%arg12 : memref<40960xf32, #tpu.memory_space<vmem>>) target(%dma_start3A_25 : memref<40960xf32, #tpu.memory_space<hbm>>) target_semaphore(%run_scoped3A_20 : memref<!tpu.dma_semaphore, #tpu.memory_space<semaphore_mem>>)
      %dma_wait3A = arith.constant 40960 : i32
      %dma_wait3A_26 = tpu.memref_slice %arg6[%add3A, %dma_wait3A] : memref<32x81920xf32, #tpu.memory_space<hbm>> -> memref<1x40960xf32, #tpu.memory_space<hbm>>
      %dma_wait3A_27 = tpu.memref_squeeze %dma_wait3A_26 : memref<1x40960xf32, #tpu.memory_space<hbm>> -> memref<40960xf32, #tpu.memory_space<hbm>>
      %dma_wait3A_28 = arith.constant 40960 : i32
      %dma_wait3A_29 = tpu.memref_slice %arg6[%add3A, %dma_wait3A_28] : memref<32x81920xf32, #tpu.memory_space<hbm>> -> memref<1x40960xf32, #tpu.memory_space<hbm>>
      %dma_wait3A_30 = tpu.memref_squeeze %dma_wait3A_29 : memref<1x40960xf32, #tpu.memory_space<hbm>> -> memref<40960xf32, #tpu.memory_space<hbm>>
      tpu.wait_dma2 semaphore(%run_scoped3A_20 : memref<!tpu.dma_semaphore, #tpu.memory_space<semaphore_mem>>) src(%arg12 : memref<40960xf32, #tpu.memory_space<vmem>>) dst(%dma_wait3A_30 : memref<40960xf32, #tpu.memory_space<hbm>>)
      tpu.yield
    }) : () -> ()
    "tpu.region"() ({
      %run_scoped3A_20 = tpu.sem_alloc : memref<!tpu.dma_semaphore, #tpu.memory_space<semaphore_mem>>
      %dma_start3A = arith.constant 0 : i32
      %dma_start3A_21 = tpu.memref_slice %arg7[%add3A, %dma_start3A] : memref<32x8192xf32, #tpu.memory_space<hbm>> -> memref<1x8192xf32, #tpu.memory_space<hbm>>
      %dma_start3A_22 = tpu.memref_squeeze %dma_start3A_21 : memref<1x8192xf32, #tpu.memory_space<hbm>> -> memref<8192xf32, #tpu.memory_space<hbm>>
      %dma_start3A_23 = arith.constant 0 : i32
      %dma_start3A_24 = tpu.memref_slice %arg7[%add3A, %dma_start3A_23] : memref<32x8192xf32, #tpu.memory_space<hbm>> -> memref<1x8192xf32, #tpu.memory_space<hbm>>
      %dma_start3A_25 = tpu.memref_squeeze %dma_start3A_24 : memref<1x8192xf32, #tpu.memory_space<hbm>> -> memref<8192xf32, #tpu.memory_space<hbm>>
      tpu.enqueue_dma source(%arg13 : memref<8192xf32, #tpu.memory_space<vmem>>) target(%dma_start3A_25 : memref<8192xf32, #tpu.memory_space<hbm>>) target_semaphore(%run_scoped3A_20 : memref<!tpu.dma_semaphore, #tpu.memory_space<semaphore_mem>>)
      %dma_wait3A = arith.constant 0 : i32
      %dma_wait3A_26 = tpu.memref_slice %arg7[%add3A, %dma_wait3A] : memref<32x8192xf32, #tpu.memory_space<hbm>> -> memref<1x8192xf32, #tpu.memory_space<hbm>>
      %dma_wait3A_27 = tpu.memref_squeeze %dma_wait3A_26 : memref<1x8192xf32, #tpu.memory_space<hbm>> -> memref<8192xf32, #tpu.memory_space<hbm>>
      %dma_wait3A_28 = arith.constant 0 : i32
      %dma_wait3A_29 = tpu.memref_slice %arg7[%add3A, %dma_wait3A_28] : memref<32x8192xf32, #tpu.memory_space<hbm>> -> memref<1x8192xf32, #tpu.memory_space<hbm>>
      %dma_wait3A_30 = tpu.memref_squeeze %dma_wait3A_29 : memref<1x8192xf32, #tpu.memory_space<hbm>> -> memref<8192xf32, #tpu.memory_space<hbm>>
      tpu.wait_dma2 semaphore(%run_scoped3A_20 : memref<!tpu.dma_semaphore, #tpu.memory_space<semaphore_mem>>) src(%arg13 : memref<8192xf32, #tpu.memory_space<vmem>>) dst(%dma_wait3A_30 : memref<8192xf32, #tpu.memory_space<hbm>>)
      tpu.yield
    }) : () -> ()
    return
  }
}

module attributes {stable_mosaic.version = 14 : i64} {
  func.func @_tc_body(%arg0: memref<32x81920xf32, #tpu.memory_space<vmem>>, %arg1: memref<32x8192xf32, #tpu.memory_space<vmem>>, %arg2: memref<32x81920xf32, #tpu.memory_space<vmem>>, %arg3: memref<32x8192xf32, #tpu.memory_space<vmem>>, %arg4: memref<10xf32, #tpu.memory_space<vmem>>) attributes {dimension_semantics = [], scalar_prefetch = 0 : i64, scratch_operands = 0 : i64, tpu.core_type = #tpu.core_type<tc>} {
    %get3A = arith.constant 0 : index
    %get3A_0 = arith.constant 0 : index
    %get3A_1 = vector.load %arg0[%get3A, %get3A_0] : memref<32x81920xf32, #tpu.memory_space<vmem>>, vector<32x81920xf32>
    %reduce_sum3A = arith.constant dense<0.000000e+00> : vector<81920xf32>
    %reduce_sum3A_2 = vector.multi_reduction <add>, %get3A_1, %reduce_sum3A [0] : vector<32x81920xf32> to vector<81920xf32>
    %reshape3A = vector.shape_cast %reduce_sum3A_2 : vector<81920xf32> to vector<2x10x32x128xf32>
    %slice3A = vector.extract_strided_slice %reshape3A {offsets = [0, 0, 0, 0], sizes = [2, 10, 32, 100], strides = [1, 1, 1, 1]} : vector<2x10x32x128xf32> to vector<2x10x32x100xf32>
    %get3A_3 = arith.constant 0 : index
    %get3A_4 = arith.constant 0 : index
    %get3A_5 = vector.load %arg2[%get3A_3, %get3A_4] : memref<32x81920xf32, #tpu.memory_space<vmem>>, vector<32x81920xf32>
    %reduce_sum3A_6 = arith.constant dense<0.000000e+00> : vector<81920xf32>
    %reduce_sum3A_7 = vector.multi_reduction <add>, %get3A_5, %reduce_sum3A_6 [0] : vector<32x81920xf32> to vector<81920xf32>
    %reshape3A_8 = vector.shape_cast %reduce_sum3A_7 : vector<81920xf32> to vector<2x10x32x128xf32>
    %slice3A_9 = vector.extract_strided_slice %reshape3A_8 {offsets = [0, 0, 0, 0], sizes = [2, 10, 32, 100], strides = [1, 1, 1, 1]} : vector<2x10x32x128xf32> to vector<2x10x32x100xf32>
    %get3A_10 = arith.constant 0 : index
    %get3A_11 = arith.constant 0 : index
    %get3A_12 = vector.load %arg1[%get3A_10, %get3A_11] : memref<32x8192xf32, #tpu.memory_space<vmem>>, vector<32x8192xf32>
    %reduce_sum3A_13 = arith.constant dense<0.000000e+00> : vector<8192xf32>
    %reduce_sum3A_14 = vector.multi_reduction <add>, %get3A_12, %reduce_sum3A_13 [0] : vector<32x8192xf32> to vector<8192xf32>
    %reshape3A_15 = vector.shape_cast %reduce_sum3A_14 : vector<8192xf32> to vector<2x32x128xf32>
    %slice3A_16 = vector.extract_strided_slice %reshape3A_15 {offsets = [0, 0, 0], sizes = [2, 32, 1], strides = [1, 1, 1]} : vector<2x32x128xf32> to vector<2x32x1xf32>
    %get3A_17 = arith.constant 0 : index
    %get3A_18 = arith.constant 0 : index
    %get3A_19 = vector.load %arg3[%get3A_17, %get3A_18] : memref<32x8192xf32, #tpu.memory_space<vmem>>, vector<32x8192xf32>
    %reduce_sum3A_20 = arith.constant dense<0.000000e+00> : vector<8192xf32>
    %reduce_sum3A_21 = vector.multi_reduction <add>, %get3A_19, %reduce_sum3A_20 [0] : vector<32x8192xf32> to vector<8192xf32>
    %reshape3A_22 = vector.shape_cast %reduce_sum3A_21 : vector<8192xf32> to vector<2x32x128xf32>
    %slice3A_23 = vector.extract_strided_slice %reshape3A_22 {offsets = [0, 0, 0], sizes = [2, 32, 1], strides = [1, 1, 1]} : vector<2x32x128xf32> to vector<2x32x1xf32>
    %reshape3A_24 = vector.shape_cast %slice3A_16 : vector<2x32x1xf32> to vector<2x1x32x1xf32>
    %gt3A = arith.constant 0.000000e+00 : f32
    %gt3A_25 = vector.broadcast %gt3A : f32 to vector<2x1x32x1xf32>
    %gt3A_26 = arith.cmpf ogt, %reshape3A_24, %gt3A_25 : vector<2x1x32x1xf32>
    %max3A = arith.constant 1.000000e+00 : f32
    %max3A_27 = vector.broadcast %max3A : f32 to vector<2x1x32x1xf32>
    %max3A_28 = arith.maximumf %reshape3A_24, %max3A_27 : vector<2x1x32x1xf32>
    %div3A = vector.broadcast %max3A_28 : vector<2x1x32x1xf32> to vector<2x10x32x100xf32>
    %div3A_29 = arith.divf %slice3A, %div3A : vector<2x10x32x100xf32>
    %jit3A = arith.constant 0.000000e+00 : f32
    %broadcast_in_dim3A = vector.shape_cast %gt3A_26 : vector<2x1x32x1xi1> to vector<2x1x32x1xi1>
    %broadcast_in_dim3A_30 = vector.broadcast %broadcast_in_dim3A : vector<2x1x32x1xi1> to vector<2x10x32x100xi1>
    %broadcast_in_dim3A_31 = vector.broadcast %jit3A : f32 to vector<2x10x32x100xf32>
    %select_n3A = arith.select %broadcast_in_dim3A_30, %div3A_29, %broadcast_in_dim3A_31 : vector<2x10x32x100xi1>, vector<2x10x32x100xf32>
    %reshape3A_32 = vector.shape_cast %slice3A_23 : vector<2x32x1xf32> to vector<2x1x32x1xf32>
    %gt3A_33 = arith.constant 0.000000e+00 : f32
    %gt3A_34 = vector.broadcast %gt3A_33 : f32 to vector<2x1x32x1xf32>
    %gt3A_35 = arith.cmpf ogt, %reshape3A_32, %gt3A_34 : vector<2x1x32x1xf32>
    %max3A_36 = arith.constant 1.000000e+00 : f32
    %max3A_37 = vector.broadcast %max3A_36 : f32 to vector<2x1x32x1xf32>
    %max3A_38 = arith.maximumf %reshape3A_32, %max3A_37 : vector<2x1x32x1xf32>
    %div3A_39 = vector.broadcast %max3A_38 : vector<2x1x32x1xf32> to vector<2x10x32x100xf32>
    %div3A_40 = arith.divf %slice3A_9, %div3A_39 : vector<2x10x32x100xf32>
    %jit3A_41 = arith.constant 0.000000e+00 : f32
    %broadcast_in_dim3A_42 = vector.shape_cast %gt3A_35 : vector<2x1x32x1xi1> to vector<2x1x32x1xi1>
    %broadcast_in_dim3A_43 = vector.broadcast %broadcast_in_dim3A_42 : vector<2x1x32x1xi1> to vector<2x10x32x100xi1>
    %broadcast_in_dim3A_44 = vector.broadcast %jit3A_41 : f32 to vector<2x10x32x100xf32>
    %select_n3A_45 = arith.select %broadcast_in_dim3A_43, %div3A_40, %broadcast_in_dim3A_44 : vector<2x10x32x100xi1>, vector<2x10x32x100xf32>
    %broadcast_in_dim3A_46 = arith.constant 0.000000e+00 : f32
    %broadcast_in_dim3A_47 = vector.broadcast %broadcast_in_dim3A_46 : f32 to vector<10xf32>
    %slice3A_48 = vector.extract_strided_slice %select_n3A {offsets = [0, 0, 0, 0], sizes = [1, 10, 32, 100], strides = [1, 1, 1, 1]} : vector<2x10x32x100xf32> to vector<1x10x32x100xf32>
    %squeeze3A = vector.shape_cast %slice3A_48 : vector<1x10x32x100xf32> to vector<10x32x100xf32>
    %slice3A_49 = vector.extract_strided_slice %select_n3A_45 {offsets = [0, 0, 0, 0], sizes = [1, 10, 32, 100], strides = [1, 1, 1, 1]} : vector<2x10x32x100xf32> to vector<1x10x32x100xf32>
    %squeeze3A_50 = vector.shape_cast %slice3A_49 : vector<1x10x32x100xf32> to vector<10x32x100xf32>
    %slice3A_51 = vector.extract_strided_slice %squeeze3A {offsets = [0, 0, 0], sizes = [1, 32, 100], strides = [1, 1, 1]} : vector<10x32x100xf32> to vector<1x32x100xf32>
    %squeeze3A_52 = vector.shape_cast %slice3A_51 : vector<1x32x100xf32> to vector<32x100xf32>
    %reduce_sum3A_53 = arith.constant dense<0.000000e+00> : vector<32xf32>
    %reduce_sum3A_54 = vector.multi_reduction <add>, %squeeze3A_52, %reduce_sum3A_53 [1] : vector<32x100xf32> to vector<32xf32>
    %ne3A = arith.constant 0.000000e+00 : f32
    %ne3A_55 = vector.broadcast %ne3A : f32 to vector<32xf32>
    %ne3A_56 = arith.cmpf one, %reduce_sum3A_54, %ne3A_55 : vector<32xf32>
    %slice3A_57 = vector.extract_strided_slice %squeeze3A_50 {offsets = [0, 0, 0], sizes = [1, 32, 100], strides = [1, 1, 1]} : vector<10x32x100xf32> to vector<1x32x100xf32>
    %squeeze3A_58 = vector.shape_cast %slice3A_57 : vector<1x32x100xf32> to vector<32x100xf32>
    %reduce_sum3A_59 = arith.constant dense<0.000000e+00> : vector<32xf32>
    %reduce_sum3A_60 = vector.multi_reduction <add>, %squeeze3A_58, %reduce_sum3A_59 [1] : vector<32x100xf32> to vector<32xf32>
    %ne3A_61 = arith.constant 0.000000e+00 : f32
    %ne3A_62 = vector.broadcast %ne3A_61 : f32 to vector<32xf32>
    %ne3A_63 = arith.cmpf one, %reduce_sum3A_60, %ne3A_62 : vector<32xf32>
    %and3A = arith.andi %ne3A_56, %ne3A_63 : vector<32xi1>
    %convert_element_type3A = arith.extui %and3A : vector<32xi1> to vector<32xi32>
    %convert_element_type3A_64 = arith.sitofp %convert_element_type3A : vector<32xi32> to vector<32xf32>
    %reduce_max3A = arith.constant dense<0xFF800000> : vector<10x32xf32>
    %reduce_max3A_65 = vector.multi_reduction <maximumf>, %squeeze3A, %reduce_max3A [2] : vector<10x32x100xf32> to vector<10x32xf32>
    %broadcast_in_dim3A_66 = vector.shape_cast %reduce_max3A_65 : vector<10x32xf32> to vector<10x32x1xf32>
    %sub3A = vector.broadcast %broadcast_in_dim3A_66 : vector<10x32x1xf32> to vector<10x32x100xf32>
    %sub3A_67 = arith.subf %squeeze3A, %sub3A : vector<10x32x100xf32>
    %exp3A = math.exp %sub3A_67 : vector<10x32x100xf32>
    %reduce_sum3A_68 = arith.constant dense<0.000000e+00> : vector<10x32xf32>
    %reduce_sum3A_69 = vector.multi_reduction <add>, %exp3A, %reduce_sum3A_68 [2] : vector<10x32x100xf32> to vector<10x32xf32>
    %broadcast_in_dim3A_70 = vector.shape_cast %reduce_sum3A_69 : vector<10x32xf32> to vector<10x32x1xf32>
    %div3A_71 = vector.broadcast %broadcast_in_dim3A_70 : vector<10x32x1xf32> to vector<10x32x100xf32>
    %div3A_72 = arith.divf %exp3A, %div3A_71 : vector<10x32x100xf32>
    %reduce_max3A_73 = arith.constant dense<0xFF800000> : vector<10x32xf32>
    %reduce_max3A_74 = vector.multi_reduction <maximumf>, %squeeze3A_50, %reduce_max3A_73 [2] : vector<10x32x100xf32> to vector<10x32xf32>
    %broadcast_in_dim3A_75 = vector.shape_cast %reduce_max3A_74 : vector<10x32xf32> to vector<10x32x1xf32>
    %sub3A_76 = vector.broadcast %broadcast_in_dim3A_75 : vector<10x32x1xf32> to vector<10x32x100xf32>
    %sub3A_77 = arith.subf %squeeze3A_50, %sub3A_76 : vector<10x32x100xf32>
    %exp3A_78 = math.exp %sub3A_77 : vector<10x32x100xf32>
    %reduce_sum3A_79 = arith.constant dense<0.000000e+00> : vector<10x32xf32>
    %reduce_sum3A_80 = vector.multi_reduction <add>, %exp3A_78, %reduce_sum3A_79 [2] : vector<10x32x100xf32> to vector<10x32xf32>
    %broadcast_in_dim3A_81 = vector.shape_cast %reduce_sum3A_80 : vector<10x32xf32> to vector<10x32x1xf32>
    %log3A = math.log %broadcast_in_dim3A_81 : vector<10x32x1xf32>
    %sub3A_82 = vector.broadcast %log3A : vector<10x32x1xf32> to vector<10x32x100xf32>
    %sub3A_83 = arith.subf %sub3A_77, %sub3A_82 : vector<10x32x100xf32>
    %mul3A = arith.mulf %div3A_72, %sub3A_83 : vector<10x32x100xf32>
    %reduce_sum3A_84 = arith.constant dense<0.000000e+00> : vector<10x32xf32>
    %reduce_sum3A_85 = vector.multi_reduction <add>, %mul3A, %reduce_sum3A_84 [2] : vector<10x32x100xf32> to vector<10x32xf32>
    %neg3A = arith.constant 0.000000e+00 : f32
    %neg3A_86 = vector.broadcast %neg3A : f32 to vector<10x32xf32>
    %neg3A_87 = arith.subf %neg3A_86, %reduce_sum3A_85 : vector<10x32xf32>
    %broadcast_in_dim3A_88 = vector.shape_cast %convert_element_type3A_64 : vector<32xf32> to vector<1x32xf32>
    %mul3A_89 = vector.broadcast %broadcast_in_dim3A_88 : vector<1x32xf32> to vector<10x32xf32>
    %mul3A_90 = arith.mulf %neg3A_87, %mul3A_89 : vector<10x32xf32>
    %reduce_sum3A_91 = arith.constant dense<0.000000e+00> : vector<10xf32>
    %reduce_sum3A_92 = vector.multi_reduction <add>, %mul3A_90, %reduce_sum3A_91 [1] : vector<10x32xf32> to vector<10xf32>
    %reduce_sum3A_93 = vector.shape_cast %convert_element_type3A_64 : vector<32xf32> to vector<1x32xf32>
    %reduce_sum3A_94 = arith.constant dense<0.000000e+00> : vector<1xf32>
    %reduce_sum3A_95 = vector.multi_reduction <add>, %reduce_sum3A_93, %reduce_sum3A_94 [1] : vector<1x32xf32> to vector<1xf32>
    %reduce_sum3A_96 = vector.shape_cast %reduce_sum3A_95 : vector<1xf32> to vector<1x1xf32>
    %reduce_sum3A_97 = vector.extract %reduce_sum3A_96[0, 0] : f32 from vector<1x1xf32>
    %max3A_98 = arith.constant 1.000000e+00 : f32
    %max3A_99 = arith.maximumf %reduce_sum3A_97, %max3A_98 : f32
    %div3A_100 = vector.broadcast %max3A_99 : f32 to vector<10xf32>
    %div3A_101 = arith.divf %reduce_sum3A_92, %div3A_100 : vector<10xf32>
    %add3A = arith.addf %broadcast_in_dim3A_47, %div3A_101 : vector<10xf32>
    %reduce_sum3A_102 = vector.shape_cast %convert_element_type3A_64 : vector<32xf32> to vector<1x32xf32>
    %reduce_sum3A_103 = arith.constant dense<0.000000e+00> : vector<1xf32>
    %reduce_sum3A_104 = vector.multi_reduction <add>, %reduce_sum3A_102, %reduce_sum3A_103 [1] : vector<1x32xf32> to vector<1xf32>
    %reduce_sum3A_105 = vector.shape_cast %reduce_sum3A_104 : vector<1xf32> to vector<1x1xf32>
    %reduce_sum3A_106 = vector.extract %reduce_sum3A_105[0, 0] : f32 from vector<1x1xf32>
    %add3A_107 = arith.constant 0.000000e+00 : f32
    %add3A_108 = arith.addf %add3A_107, %reduce_sum3A_106 : f32
    %slice3A_109 = vector.extract_strided_slice %select_n3A {offsets = [1, 0, 0, 0], sizes = [1, 10, 32, 100], strides = [1, 1, 1, 1]} : vector<2x10x32x100xf32> to vector<1x10x32x100xf32>
    %squeeze3A_110 = vector.shape_cast %slice3A_109 : vector<1x10x32x100xf32> to vector<10x32x100xf32>
    %slice3A_111 = vector.extract_strided_slice %select_n3A_45 {offsets = [1, 0, 0, 0], sizes = [1, 10, 32, 100], strides = [1, 1, 1, 1]} : vector<2x10x32x100xf32> to vector<1x10x32x100xf32>
    %squeeze3A_112 = vector.shape_cast %slice3A_111 : vector<1x10x32x100xf32> to vector<10x32x100xf32>
    %slice3A_113 = vector.extract_strided_slice %squeeze3A_110 {offsets = [0, 0, 0], sizes = [1, 32, 100], strides = [1, 1, 1]} : vector<10x32x100xf32> to vector<1x32x100xf32>
    %squeeze3A_114 = vector.shape_cast %slice3A_113 : vector<1x32x100xf32> to vector<32x100xf32>
    %reduce_sum3A_115 = arith.constant dense<0.000000e+00> : vector<32xf32>
    %reduce_sum3A_116 = vector.multi_reduction <add>, %squeeze3A_114, %reduce_sum3A_115 [1] : vector<32x100xf32> to vector<32xf32>
    %ne3A_117 = arith.constant 0.000000e+00 : f32
    %ne3A_118 = vector.broadcast %ne3A_117 : f32 to vector<32xf32>
    %ne3A_119 = arith.cmpf one, %reduce_sum3A_116, %ne3A_118 : vector<32xf32>
    %slice3A_120 = vector.extract_strided_slice %squeeze3A_112 {offsets = [0, 0, 0], sizes = [1, 32, 100], strides = [1, 1, 1]} : vector<10x32x100xf32> to vector<1x32x100xf32>
    %squeeze3A_121 = vector.shape_cast %slice3A_120 : vector<1x32x100xf32> to vector<32x100xf32>
    %reduce_sum3A_122 = arith.constant dense<0.000000e+00> : vector<32xf32>
    %reduce_sum3A_123 = vector.multi_reduction <add>, %squeeze3A_121, %reduce_sum3A_122 [1] : vector<32x100xf32> to vector<32xf32>
    %ne3A_124 = arith.constant 0.000000e+00 : f32
    %ne3A_125 = vector.broadcast %ne3A_124 : f32 to vector<32xf32>
    %ne3A_126 = arith.cmpf one, %reduce_sum3A_123, %ne3A_125 : vector<32xf32>
    %and3A_127 = arith.andi %ne3A_119, %ne3A_126 : vector<32xi1>
    %convert_element_type3A_128 = arith.extui %and3A_127 : vector<32xi1> to vector<32xi32>
    %convert_element_type3A_129 = arith.sitofp %convert_element_type3A_128 : vector<32xi32> to vector<32xf32>
    %reduce_max3A_130 = arith.constant dense<0xFF800000> : vector<10x32xf32>
    %reduce_max3A_131 = vector.multi_reduction <maximumf>, %squeeze3A_110, %reduce_max3A_130 [2] : vector<10x32x100xf32> to vector<10x32xf32>
    %broadcast_in_dim3A_132 = vector.shape_cast %reduce_max3A_131 : vector<10x32xf32> to vector<10x32x1xf32>
    %sub3A_133 = vector.broadcast %broadcast_in_dim3A_132 : vector<10x32x1xf32> to vector<10x32x100xf32>
    %sub3A_134 = arith.subf %squeeze3A_110, %sub3A_133 : vector<10x32x100xf32>
    %exp3A_135 = math.exp %sub3A_134 : vector<10x32x100xf32>
    %reduce_sum3A_136 = arith.constant dense<0.000000e+00> : vector<10x32xf32>
    %reduce_sum3A_137 = vector.multi_reduction <add>, %exp3A_135, %reduce_sum3A_136 [2] : vector<10x32x100xf32> to vector<10x32xf32>
    %broadcast_in_dim3A_138 = vector.shape_cast %reduce_sum3A_137 : vector<10x32xf32> to vector<10x32x1xf32>
    %div3A_139 = vector.broadcast %broadcast_in_dim3A_138 : vector<10x32x1xf32> to vector<10x32x100xf32>
    %div3A_140 = arith.divf %exp3A_135, %div3A_139 : vector<10x32x100xf32>
    %reduce_max3A_141 = arith.constant dense<0xFF800000> : vector<10x32xf32>
    %reduce_max3A_142 = vector.multi_reduction <maximumf>, %squeeze3A_112, %reduce_max3A_141 [2] : vector<10x32x100xf32> to vector<10x32xf32>
    %broadcast_in_dim3A_143 = vector.shape_cast %reduce_max3A_142 : vector<10x32xf32> to vector<10x32x1xf32>
    %sub3A_144 = vector.broadcast %broadcast_in_dim3A_143 : vector<10x32x1xf32> to vector<10x32x100xf32>
    %sub3A_145 = arith.subf %squeeze3A_112, %sub3A_144 : vector<10x32x100xf32>
    %exp3A_146 = math.exp %sub3A_145 : vector<10x32x100xf32>
    %reduce_sum3A_147 = arith.constant dense<0.000000e+00> : vector<10x32xf32>
    %reduce_sum3A_148 = vector.multi_reduction <add>, %exp3A_146, %reduce_sum3A_147 [2] : vector<10x32x100xf32> to vector<10x32xf32>
    %broadcast_in_dim3A_149 = vector.shape_cast %reduce_sum3A_148 : vector<10x32xf32> to vector<10x32x1xf32>
    %log3A_150 = math.log %broadcast_in_dim3A_149 : vector<10x32x1xf32>
    %sub3A_151 = vector.broadcast %log3A_150 : vector<10x32x1xf32> to vector<10x32x100xf32>
    %sub3A_152 = arith.subf %sub3A_145, %sub3A_151 : vector<10x32x100xf32>
    %mul3A_153 = arith.mulf %div3A_140, %sub3A_152 : vector<10x32x100xf32>
    %reduce_sum3A_154 = arith.constant dense<0.000000e+00> : vector<10x32xf32>
    %reduce_sum3A_155 = vector.multi_reduction <add>, %mul3A_153, %reduce_sum3A_154 [2] : vector<10x32x100xf32> to vector<10x32xf32>
    %neg3A_156 = arith.constant 0.000000e+00 : f32
    %neg3A_157 = vector.broadcast %neg3A_156 : f32 to vector<10x32xf32>
    %neg3A_158 = arith.subf %neg3A_157, %reduce_sum3A_155 : vector<10x32xf32>
    %broadcast_in_dim3A_159 = vector.shape_cast %convert_element_type3A_129 : vector<32xf32> to vector<1x32xf32>
    %mul3A_160 = vector.broadcast %broadcast_in_dim3A_159 : vector<1x32xf32> to vector<10x32xf32>
    %mul3A_161 = arith.mulf %neg3A_158, %mul3A_160 : vector<10x32xf32>
    %reduce_sum3A_162 = arith.constant dense<0.000000e+00> : vector<10xf32>
    %reduce_sum3A_163 = vector.multi_reduction <add>, %mul3A_161, %reduce_sum3A_162 [1] : vector<10x32xf32> to vector<10xf32>
    %reduce_sum3A_164 = vector.shape_cast %convert_element_type3A_129 : vector<32xf32> to vector<1x32xf32>
    %reduce_sum3A_165 = arith.constant dense<0.000000e+00> : vector<1xf32>
    %reduce_sum3A_166 = vector.multi_reduction <add>, %reduce_sum3A_164, %reduce_sum3A_165 [1] : vector<1x32xf32> to vector<1xf32>
    %reduce_sum3A_167 = vector.shape_cast %reduce_sum3A_166 : vector<1xf32> to vector<1x1xf32>
    %reduce_sum3A_168 = vector.extract %reduce_sum3A_167[0, 0] : f32 from vector<1x1xf32>
    %max3A_169 = arith.constant 1.000000e+00 : f32
    %max3A_170 = arith.maximumf %reduce_sum3A_168, %max3A_169 : f32
    %div3A_171 = vector.broadcast %max3A_170 : f32 to vector<10xf32>
    %div3A_172 = arith.divf %reduce_sum3A_163, %div3A_171 : vector<10xf32>
    %add3A_173 = arith.addf %add3A, %div3A_172 : vector<10xf32>
    %reduce_sum3A_174 = vector.shape_cast %convert_element_type3A_129 : vector<32xf32> to vector<1x32xf32>
    %reduce_sum3A_175 = arith.constant dense<0.000000e+00> : vector<1xf32>
    %reduce_sum3A_176 = vector.multi_reduction <add>, %reduce_sum3A_174, %reduce_sum3A_175 [1] : vector<1x32xf32> to vector<1xf32>
    %reduce_sum3A_177 = vector.shape_cast %reduce_sum3A_176 : vector<1xf32> to vector<1x1xf32>
    %reduce_sum3A_178 = vector.extract %reduce_sum3A_177[0, 0] : f32 from vector<1x1xf32>
    %add3A_179 = arith.addf %add3A_108, %reduce_sum3A_178 : f32
    %max3A_180 = arith.constant 1.000000e+00 : f32
    %max3A_181 = arith.maximumf %add3A_179, %max3A_180 : f32
    %div3A_182 = vector.broadcast %max3A_181 : f32 to vector<10xf32>
    %div3A_183 = arith.divf %add3A_173, %div3A_182 : vector<10xf32>
    %swap3A = arith.constant 0 : index
    %swap3A_184 = vector.load %arg4[%swap3A] : memref<10xf32, #tpu.memory_space<vmem>>, vector<10xf32>
    tpu.vector_store %arg4[%swap3A], %div3A_183 {strides = array<i32>} : memref<10xf32, #tpu.memory_space<vmem>>, vector<10xf32>,
    return
  }
}

</mosaic_0001>

<sc_bundles>
// kernel: kernel.5.cloned.1.call-start
scs
__scs_entry_jumppad:
0x0: {  	(pc) =	sbr.rel $0x88, $3  }
0x1: {  	(tag) =	ssettag $0x0;
	lr =	simm.s32 $0x1  }
0x2: {  	[smem:$0x3F9D] =	sst lr;
	_ =	strace $0xD0000000  }
0x3: {  	_ = 	snop  }
0x4: {  	_ = 	snop  }
0x5: {  	_ = 	snop  }
0x6: {  	_ = 	snop  }
0x7: {  	_ = 	snop  }
__scs_overlays_trampoline_lowered:
0x8: {  	[smem:$0x3FAC] =	sst s0  }
0x9: {  	[smem:$0x3FAD] =	sst s1  }
0xa: {  	[smem:$0x3FAE] =	sst s2  }
0xb: {  	[smem:$0x3FAF] =	sst s3  }
0xc: {  	[smem:$0x3FB0] =	sst s4  }
0xd: {  	[smem:$0x3FB1] =	sst s5  }
0xe: {  	[smem:$0x3FB2] =	sst s6  }
0xf: {  	[smem:$0x3FB3] =	sst s7  }
0x10: {  	[smem:$0x3FB4] =	sst s8  }
0x11: {  	[smem:$0x3FB5] =	sst s9;
	s0 =	simm.s32 @!p0 $0x0  }
0x12: {  	s1 =	sld [smem:$0x3F9B];
	s0 =	simm.s32 @p0 $0x1  }
0x13: {  	[smem:$0x3FB6] =	sst s0;
	s0 =	simm.s32 @!p1 $0x0  }
0x14: {  	s2 =	sld [smem:$0x3F9A];
	s0 =	simm.s32 @p1 $0x1  }
0x15: {  	[smem:$0x3FB7] =	sst s0;
	s0 =	simm.s32 @!p2 $0x0  }
0x16: {  	s3 =	sld [smem:$0x3FDB];
	s0 =	simm.s32 @p2 $0x1  }
0x17: {  	s4 =	simm.s32 $0x1BF5;
	[smem:$0x3FB9] =	sst s0  }
0x18: {  	s0 =	sld [smem:$0x3F9C];
	_ =	swait.ge [sflag:s4], $0x0  }
0x19: {  	s7 =	sld [smem:$0x3F9D]  }
0x1a: {  	s8 =	sadd.s32 $0xFFFFE003, lr  }
0x1b: {  	s9 =	sadd.s32 $0xFFFFFEF7, lr;
	s5 =	simm.s32 $0xFFFFFFFF;
	p2 =	slt.u32 s8, $0xFFFFF086  }
0x1c: {  	p1 =	slt.u32 s9, $0xF7A;
	s5 =	simm.s32 @!p2 $0x0  }
0x1d: {  	s5 =	simm.s32 @p1 $0x1;
	p0 =	seq.s32 s7, s2  }
0x1e: {  	s7 =	smul.u32 @!p0 $0xF7A, s2;
	p2 =	seq.s32 @!p0 s5, $0x0  }
0x1f: {  	s9 =	smul.u32 $0xF7A, s1;
	s8 =	simm.s32 @!p0 $0x1BF5;
	p2 =	por !p2, p0  }
0x20: {  	[sflag:s8] =	ssyncset.s32 @!p0 $0xFFFFF086;
	s6 =	sadd.s32 @!p0 s3, s7;
	s7 =	simm.s32 @!p0 $0x108  }
0x21: {  	s3 =	sadd.s32 s3, s9;
	s6 =	sadd.s32 @!p0 $0x88, s6;
	s7 =	simm.s32 @p2 $0x1082  }
0x22: {  	[simem:s7], [sflag:s8] =	dma.local @!p0 [hbm:s6], $0xF7A  }
0x23: {  	s9 =	sor.u32 $0xD0000000, s2;
	s6 =	simm.s32 $0x108;
	_ =	swait.ge @!p0 [sflag:s8], $0x0  }
0x24: {  	s3 =	sadd.s32 $0x88, s3;
	s6 =	simm.s32 @!p1 $0x1082;
	[sflag:s4] =	ssyncset.s32 $0xFFFFF086  }
0x25: {  	[simem:s6], [sflag:s4] =	dma.local [hbm:s3], $0xF7A  }
0x26: {  	[smem:$0x3F9D] =	sst s1;
	(tag) =	ssettag s2;
	_ =	strace s9  }
0x27: {  	s1 =	sld [smem:$0x3FAD]  }
0x28: {  	s2 =	sld [smem:$0x3FAE]  }
0x29: {  	s4 =	sld [smem:$0x3FB0]  }
0x2a: {  	p0 =	seq.s32 s5, $0x0;
	s5 =	sld [smem:$0x3FB1]  }
0x2b: {  	s6 =	sld [smem:$0x3FB2]  }
0x2c: {  	s7 =	sld [smem:$0x3FB3]  }
0x2d: {  	s3 =	simm.s32 $0x108;
	s8 =	sld [smem:$0x3FB4]  }
0x2e: {  	s3 =	simm.s32 @!p0 $0x1082;
	s9 =	sld [smem:$0x3FB5]  }
0x2f: {  	lr =	sadd.s32 s0, s3;
	s0 =	sld [smem:$0x3FAC]  }
0x30: {  	s3 =	sld [smem:$0x3FAF]  }
0x31: {  	[smem:$0x3FB8] =	sst s10  }
0x32: {  	s10 =	sld [smem:$0x3FB6];
	_ =	sdelay $0x3  }
0x33: {  	p0 =	seq.s32 s10, $0x1;
	s10 =	sld [smem:$0x3FB8];
	_ =	sdelay $0x3  }
0x34: {  	[smem:$0x3FB8] =	sst s10  }
0x35: {  	s10 =	sld [smem:$0x3FB7];
	_ =	sdelay $0x3  }
0x36: {  	p1 =	seq.s32 s10, $0x1;
	s10 =	sld [smem:$0x3FB8];
	_ =	sdelay $0x3  }
0x37: {  	[smem:$0x3FB8] =	sst s10  }
0x38: {  	s10 =	sld [smem:$0x3FB9]  }
0x39: {  	_ = 	snop;
	(pc) =	sbr.ind lr, $3  }
0x3a: {  	_ = 	snop  }
0x3b: {  	_ = 	snop  }
0x3c: {  	p2 =	seq.s32 s10, $0x1;
	s10 =	sld [smem:$0x3FB8]  }
0x3d: {  	_ =	shalt  }
0x3e: {  	_ =	shalt  }
0x3f: {  	_ =	shalt  }
0x40: {  	_ =	shalt  }
0x41: {  	_ =	shalt  }
0x42: {  	_ =	shalt  }
0x43: {  	_ =	shalt  }
0x44: {  	_ =	shalt  }
0x45: {  	_ =	shalt  }
0x46: {  	_ =	shalt  }
0x47: {  	_ =	shalt  }
0x48: {  	_ =	shalt  }
0x49: {  	_ =	shalt  }
0x4a: {  	_ =	shalt  }
0x4b: {  	_ =	shalt  }
0x4c: {  	_ =	shalt  }
0x4d: {  	_ =	shalt  }
0x4e: {  	_ =	shalt  }
0x4f: {  	_ =	shalt  }
0x50: {  	_ =	shalt  }
0x51: {  	_ =	shalt  }
0x52: {  	_ =	shalt  }
0x53: {  	_ =	shalt  }
0x54: {  	_ =	shalt  }
0x55: {  	_ =	shalt  }
0x56: {  	_ =	shalt  }
0x57: {  	_ =	shalt  }
0x58: {  	_ =	shalt  }
0x59: {  	_ =	shalt  }
0x5a: {  	_ =	shalt  }
0x5b: {  	_ =	shalt  }
0x5c: {  	_ =	shalt  }
0x5d: {  	_ =	shalt  }
0x5e: {  	_ =	shalt  }
0x5f: {  	_ =	shalt  }
0x60: {  	_ =	shalt  }
0x61: {  	_ =	shalt  }
0x62: {  	_ =	shalt  }
0x63: {  	_ =	shalt  }
0x64: {  	_ =	shalt  }
0x65: {  	_ =	shalt  }
0x66: {  	_ =	shalt  }
0x67: {  	_ =	shalt  }
0x68: {  	_ =	shalt  }
0x69: {  	_ =	shalt  }
0x6a: {  	_ =	shalt  }
0x6b: {  	_ =	shalt  }
0x6c: {  	_ =	shalt  }
0x6d: {  	_ =	shalt  }
0x6e: {  	_ =	shalt  }
0x6f: {  	_ =	shalt  }
0x70: {  	_ =	shalt  }
0x71: {  	_ =	shalt  }
0x72: {  	_ =	shalt  }
0x73: {  	_ =	shalt  }
0x74: {  	_ =	shalt  }
0x75: {  	_ =	shalt  }
0x76: {  	_ =	shalt  }
0x77: {  	_ =	shalt  }
0x78: {  	_ =	shalt  }
0x79: {  	_ =	shalt  }
0x7a: {  	_ =	shalt  }
0x7b: {  	_ =	shalt  }
0x7c: {  	_ =	shalt  }
0x7d: {  	_ =	shalt  }
0x7e: {  	_ =	shalt  }
0x7f: {  	_ =	shalt  }
0x80: {  	_ =	shalt  }
0x81: {  	_ =	shalt  }
0x82: {  	_ =	shalt  }
0x83: {  	_ =	shalt  }
0x84: {  	_ =	shalt  }
0x85: {  	_ =	shalt  }
0x86: {  	_ =	shalt  }
0x87: {  	_ =	shalt  }
.Lfunc_end0:
.L_simem_size_0:
called_computation_lowered:
.L_overlay_start_0:
0x88: {  	s2 =	sld [smem:$0x3FD9]  }
0x89: {  	s3 =	sld [smem:$0x3FFE];
	_ =	sdelay $0x1  }
0x8a: {  	s1 =	srdreg.scid  }
0x8b: {  	s0 =	sand.u32 $0x1, s1  }
0x8c: {  	s17 =	sshll.u32 s0, $0xA;
	s2 =	sadd.s32 s3, s2  }
0x8d: {  	s2 =	sadd.s32 s2, s17  }
0x8e: {  	[smem:$0x3FC4] =	sst s2  }
0x8f: {  	_ = 	snop  }
0x90: {  	s2 =	sld [smem:$0x3FC7];
	(tm) =	ssettm $0x1  }
0x91: {  	s18 =	sld [smem:$0x3FFB];
	_ =	sdelay $0x3  }
0x92: {  	_ =	strace s18  }
0x93: {  	s3 =	sld [smem:$0x3FFC];
	_ =	sdelay $0x3  }
0x94: {  	_ =	strace s3  }
0x95: {  	s3 =	sld [smem:$0x3FFD];
	_ =	sdelay $0x3  }
0x96: {  	_ =	strace s3  }
0x97: {  	_ =	strace $0x8FFFFFFF  }
0x98: {  	s19 =	sld [smem:$0x3FDB];
	_ =	sdelay $0x1  }
0x99: {  	s4 =	simm.s32 $_scs_section_size  }
0x9a: {  	s5 =	simm.s32 $_size__tile_overlayer_lowered;
	s6 =	simm.s32 $_tile_overlayer_lowered  }
0x9b: {  	s22 =	simm.s32 $0x1BFF;
	s21 =	sshll.u32 s6, $0x1;
	s3 =	sadd.s32 s4, s19  }
0x9c: {  	s7 =	simm.s32 $0x0;
	s20 =	sshll.u32 s5, $0x1;
	s5 =	sadd.s32 s21, s3  }
0x9d: {  	[timem:s7], [sflag:s22] =	dma.local [hbm:s5], s20  }
0x9e: {  	_ =	swait.ge [sflag:s22], s20  }
0x9f: {  	s4 =	ssub.s32 $0x0, s20;
	[sflag:s22] =	ssyncset.done $0x0  }
0xa0: {  	[sflag:s22] =	ssyncadd.s32 s4;
	_ =	sdelay $0x1  }
0xa1: {  	s23 =	simm.s32 $0x1B8B  }
0xa2: {  	_ =	swait.ge [sflag:s23], $0x1  }
0xa3: {  	[sflag:s23] =	ssyncset.done $0x0  }
0xa4: {  	s25 =	simm.s32 $0x1B8E;
	s24 =	sld [smem:$0x3FFE];
	[sflag:s23] =	ssyncadd.s32 $0xFFFFFFFF  }
0xa5: {  	s26 =	simm.s32 $execute0_lowered;
	[smem:$0x3FD2] =	sst s25  }
0xa6: {  	s5 =	sshll.u32 s26, $0x1;
	_ =	strace $0x80000046;
	[dreg:$0x1] =	wrdreg $0xFFFFFFFF  }
0xa7: {  	s28 =	simm.s32 $_size_execute0_lowered;
	s3 =	sadd.s32 s3, s5;
	[dreg:$0x0] =	wrdreg $0x0  }
0xa8: {  	s5 =	sshll.u32 s28, $0x1;
	[dreg:$0x2] =	wrdreg s3  }
0xa9: {  	[dreg:$0x3] =	wrdreg s5  }
0xaa: {  	[dreg:$0x4] =	wrdreg $0xC0  }
0xab: {  	_ =	task [dreg:s7], $0x5FFFF  }
0xac: {  	[dreg:$0x1] =	wrdreg $0xFFFFFFFF  }
0xad: {  	[dreg:$0x0] =	wrdreg $0x60  }
0xae: {  	[dreg:$0x2] =	wrdreg s2  }
0xaf: {  	[dreg:$0x3] =	wrdreg s24  }
0xb0: {  	[dreg:$0x4] =	wrdreg $0x9  }
0xb1: {  	_ =	task.clear_ibuf [dreg:s7], $0x5FFFF;
	_ =	strace $0x90000046  }
0xb2: {  	s29 =	simm.s32 $0x9;
	_ =	strace $0x80000048  }
0xb3: {  	_ =	swait.ge [sflag:s29], $0x1  }
0xb4: {  	[sflag:s29] =	ssyncadd.s32 $0xFFFFFFFF  }
0xb5: {  	_ =	strace $0x90000048  }
0xb6: {  	_ =	sfence  }
0xb7: {  	s30 =	sld [smem:$0x0];
	_ =	sdelay $0x2  }
0xb8: {  	s31 =	sshll.u32 s1, $0xD;
	s1 =	sshrl.u32 s1, $0x2  }
0xb9: {  	s3 =	sand.u32 $0x4000, s31;
	s1 =	sadd.s32 s1, s30  }
0xba: {  	s0 =	sor.u32 s3, s0;
	s1 =	sshll.u32 s1, $0x11  }
0xbb: {  	s0 =	sor.u32 s1, s0  }
0xbc: {  	s0 =	sadd.s32 $0x8F2B, s0  }
0xbd: {  	[sflag:s0] =	ssyncadd.remote.s32 $0x1  }
0xbe: {  	_ =	sfence.sel $0xFFFF  }
0xbf: {  	[dreg:$0x0] =	wrdreg $0xFFFFFFFF;
	(pc) =	sbr.abs _section_cstart, $3  }
0xc0: {  	[dreg:$0x1] =	wrdreg $0xFFFFFFFF  }
0xc1: {  	_ =	task.clear_ibuf [dreg:s7], $0x2FFFF;
	_ =	strace $0x9FFFFFFF  }
0xc2: {  	(tm) =	ssettm $0x7FFFFFFF  }
0xc3: {  	_ =	shalt  }
tec
execute0_lowered:
.L_overlay_start_1:
0x0: {  	(tag) =	ssettag $0x1  }
0x1: {  	s6 =	rddreg [dreg:$0x0]  }
0x2: {  	s16 =	rddreg [dreg:$0x1]  }
0x3: {  	s0 =	rddreg [dreg:$0x2];
	s2 =	simm.s32 $0x0  }
0x4: {  	s4 =	srdreg.scid;
	s1 =	stileid.u32;
	s5 =	simm.s32 $0xC000  }
0x5: {  	[smem:$0x7FF] =	sst s2;
	s3 =	sadd.s32 $0x281600, s16;
	s15 =	sand.u32 $0x1, s4  }
0x6: {  	s26 =	sshll.u32 s1, $0x1;
	s4 =	simm.s32 $0x1;
	_ =	strace $0x80000047  }
0x7: {  	[tilespmem:s5], [sflag:$0x1] =	stream.linear.gather [hbm4b:s3+s2], $0x2000, $0x38;
	[tilespmem:$0xE000] =	vst v63  }
0x8: {  	s10 =	sor.u32 s15, s26;
	_ =	swait.ge [sflag:s4], $0x2000  }
0x9: {  	s8 =	simm.s32 $0x10000;
	s7 =	sshll.u32 s10, $0x8;
	[sflag:s4] =	ssyncset.done $0x0  }
0xa: {  	s6 =	sadd.s32 s6, s7;
	s7 =	simm.s32 $0x800;
	[sflag:s4] =	ssyncadd.s32 $0xFFFFE000  }
0xb: {  	[tilespmem:s2], [sflag:$0x1] =	stream.strided.gather [hbm4b:s6+s7], $0x2000, s8, s7, $0x38;
	[tilespmem:$0xE000] =	vst v63  }
0xc: {  	_ =	swait.ge [sflag:s4], $0x2000  }
0xd: {  	[sflag:s4] =	ssyncset.done $0x0  }
0xe: {  	s17 =	sshrl.u32 s1, $0x2;
	s9 =	sadd.s32 $0x8000, s6;
	[sflag:s4] =	ssyncadd.s32 $0xFFFFE000  }
0xf: {  	[tilespmem:s2], [sflag:$0x1] =	stream.strided.gather [hbm4b:s9+s7], $0x2000, s8, s7, $0x38;
	[tilespmem:$0xE000] =	vst v63  }
0x10: {  	s12 =	smul.u32 $0xA0000, s17;
	_ =	swait.ge [sflag:s4], $0x2000  }
0x11: {  	s11 =	sshll.u32 s10, $0x7;
	s10 =	sadd.s32 $0x281A00, s16;
	[sflag:s4] =	ssyncset.done $0x0  }
0x12: {  	s18 =	sand.u32 $0x380, s11;
	s11 =	simm.s32 $0x2000;
	[sflag:s4] =	ssyncadd.s32 $0xFFFFE000  }
0x13: {  	[tilespmem:s11], [sflag:$0x1] =	stream.linear.gather [hbm4b:s10+s2], $0xA000, $0x38;
	[tilespmem:$0xE000] =	vst v63  }
0x14: {  	s13 =	simm.s32 $0x80;
	s19 =	sor.u32 s12, s18;
	_ =	swait.ge [sflag:s4], $0xA000  }
0x15: {  	s20 =	sadd.s32 $0x282E00, s16;
	s12 =	sshrl.u32 s19, $0x3;
	[sflag:s4] =	ssyncset.done $0x0  }
0x16: {  	s14 =	simm.s32 $0x400;
	s12 =	sadd.s32 s20, s12;
	[sflag:s4] =	ssyncadd.s32 $0xFFFF6000  }
0x17: {  	[hbm4b:s12+s13] =	stream.strided.scatter [tilespmem:s11], [sflag:$0x1], $0xA000, s14, s13, $0x38;
	[tilespmem:$0xE000] =	vst v63  }
0x18: {  	s29 =	ssub.s32 $0x2, s15;
	_ =	swait.ge [sflag:s4], $0xA000  }
0x19: {  	s17 =	sshll.u32 s17, $0x10;
	s30 =	sshrl.u32 s29, $0x1;
	[sflag:s4] =	ssyncset.done $0x0  }
0x1a: {  	s31 =	ssub.s32 s29, s30;
	s17 =	sor.u32 s17, s18;
	[sflag:s4] =	ssyncadd.s32 $0xFFFF6000  }
0x1b: {  	[tilespmem:s11], [sflag:$0x1] =	stream.linear.gather [hbm4b:s10+s2], $0xA000, $0x38;
	[tilespmem:$0xE000] =	vst v63  }
0x1c: {  	s19 =	sadd.s32 $0x50000, s19;
	s17 =	sshrl.u32 s17, $0x3;
	_ =	swait.ge [sflag:s4], $0xA000  }
0x1d: {  	s28 =	sshrl.u32 s19, $0x3;
	s16 =	sadd.s32 s17, s16;
	[sflag:s4] =	ssyncset.done $0x0  }
0x1e: {  	s17 =	smax.u32 s31, $0x1;
	s15 =	sadd.s32 s20, s28;
	[sflag:s4] =	ssyncadd.s32 $0xFFFF6000  }
0x1f: {  	[hbm4b:s15+s13] =	stream.strided.scatter [tilespmem:s11], [sflag:$0x1], $0xA000, s14, s13, $0x38;
	[tilespmem:$0xE000] =	vst v63  }
0x20: {  	p0 =	sne.s32 s17, $0x1;
	_ =	swait.ge [sflag:s4], $0xA000  }
.Ltmp0:
0x21: {  	[sflag:s4] =	ssyncset.done $0x0;
	(pc) =	sbr.rel @!p0 .LBB2_2-.Ltmp0, $4  }
0x22: {  	s16 =	sadd.s32 $0x2D2E00, s16;
	[sflag:s4] =	ssyncadd.s32 $0xFFFF6000  }
0x23: {  	[hbm4b:s16+s13] =	stream.strided.scatter [tilespmem:s5], [sflag:$0x1], $0x2000, s14, s13, $0x38;
	[tilespmem:$0xE000] =	vst v63  }
0x24: {  	_ =	swait.ge [sflag:s4], $0x2000  }
0x25: {  	s17 =	sadd.s32 $0xFFFFFFFF, s17;
	[sflag:s4] =	ssyncset.done $0x0  }
.LBB2_1:
0x26: {  	p0 =	sne.s32 s17, $0x1;
	s17 =	sadd.s32 $0xFFFFFFFF, s17;
	[sflag:s4] =	ssyncadd.s32 $0xFFFFE000  }
0x27: {  	[tilespmem:s5], [sflag:$0x1] =	stream.linear.gather [hbm4b:s3+s2], $0x2000, $0x38;
	[tilespmem:$0xE000] =	vst v63  }
0x28: {  	_ =	swait.ge [sflag:s4], $0x2000  }
0x29: {  	[sflag:s4] =	ssyncset.done $0x0  }
0x2a: {  	[sflag:s4] =	ssyncadd.s32 $0xFFFFE000  }
0x2b: {  	[tilespmem:s2], [sflag:$0x1] =	stream.strided.gather [hbm4b:s6+s7], $0x2000, s8, s7, $0x38;
	[tilespmem:$0xE000] =	vst v63  }
0x2c: {  	_ =	swait.ge [sflag:s4], $0x2000  }
0x2d: {  	[sflag:s4] =	ssyncset.done $0x0  }
0x2e: {  	[sflag:s4] =	ssyncadd.s32 $0xFFFFE000  }
0x2f: {  	[tilespmem:s2], [sflag:$0x1] =	stream.strided.gather [hbm4b:s9+s7], $0x2000, s8, s7, $0x38;
	[tilespmem:$0xE000] =	vst v63  }
0x30: {  	_ =	swait.ge [sflag:s4], $0x2000  }
0x31: {  	[sflag:s4] =	ssyncset.done $0x0  }
0x32: {  	[sflag:s4] =	ssyncadd.s32 $0xFFFFE000  }
0x33: {  	[tilespmem:s11], [sflag:$0x1] =	stream.linear.gather [hbm4b:s10+s2], $0xA000, $0x38;
	[tilespmem:$0xE000] =	vst v63  }
0x34: {  	_ =	swait.ge [sflag:s4], $0xA000  }
0x35: {  	[sflag:s4] =	ssyncset.done $0x0  }
0x36: {  	[sflag:s4] =	ssyncadd.s32 $0xFFFF6000  }
0x37: {  	[hbm4b:s12+s13] =	stream.strided.scatter [tilespmem:s11], [sflag:$0x1], $0xA000, s14, s13, $0x38;
	[tilespmem:$0xE000] =	vst v63  }
0x38: {  	_ =	swait.ge [sflag:s4], $0xA000  }
0x39: {  	[sflag:s4] =	ssyncset.done $0x0  }
0x3a: {  	[sflag:s4] =	ssyncadd.s32 $0xFFFF6000  }
0x3b: {  	[tilespmem:s11], [sflag:$0x1] =	stream.linear.gather [hbm4b:s10+s2], $0xA000, $0x38;
	[tilespmem:$0xE000] =	vst v63  }
0x3c: {  	_ =	swait.ge [sflag:s4], $0xA000  }
0x3d: {  	[sflag:s4] =	ssyncset.done $0x0  }
0x3e: {  	[sflag:s4] =	ssyncadd.s32 $0xFFFF6000  }
0x3f: {  	[hbm4b:s15+s13] =	stream.strided.scatter [tilespmem:s11], [sflag:$0x1], $0xA000, s14, s13, $0x38;
	[tilespmem:$0xE000] =	vst v63  }
0x40: {  	_ =	swait.ge [sflag:s4], $0xA000  }
.Ltmp1:
0x41: {  	[sflag:s4] =	ssyncset.done $0x0;
	(pc) =	sbr.rel @p0 .LBB2_1-.Ltmp1, $4  }
0x42: {  	[sflag:s4] =	ssyncadd.s32 $0xFFFF6000  }
0x43: {  	[hbm4b:s16+s13] =	stream.strided.scatter [tilespmem:s5], [sflag:$0x1], $0x2000, s14, s13, $0x38;
	[tilespmem:$0xE000] =	vst v63  }
0x44: {  	_ =	swait.ge [sflag:s4], $0x2000  }
0x45: {  	[sflag:s4] =	ssyncset.done $0x0  }
.LBB2_2:
0x46: {  	[sflag:s4] =	ssyncadd.s32 $0xFFFFE000  }
0x47: {  	_ =	sfence.sel $0x180000  }
0x48: {  	[bflag:$0x0] =	sbarrier.arrive $0xFFFF  }
0x49: {  	p0 =	sne.s32 s1, $0x0;
	_ =	strace $0x90000047  }
0x4a: {  	s0 =	sadd.s32 @!p0 $0x100000, s0;
	[bflag:$0x2] =	sbarrier.arrive $0xFFFF  }
0x4b: {  	[sflag:s0] =	ssyncadd.tile.s32 @!p0 $0x1;
	_ =	shalt  }
.Lfunc_end2:
_tile_overlayer_lowered:
.L_overlay_start_2:
0x4c: {  	(tag) =	ssettag $0x2  }
0x4d: {  	s0 =	rddreg [dreg:$0x0];
	s2 =	stileid.u32  }
0x4e: {  	s1 =	rddreg [dreg:$0x1];
	p0 =	sne.s32 s2, $0x0  }
0x4f: {  	s3 =	rddreg [dreg:$0x2];
	[bflag:$0x3] =	sbarrier.arrive $0xFFFF;
	s2 =	simm.s32 @!p0 $0x1C01  }
0x50: {  	[timem:s3], [sflag:s2] =	dma.local @!p0 [hbm:s0], s1  }
0x51: {  	s0 =	simm.s32 @!p0 $0x1  }
0x52: {  	_ =	swait.ge @!p0 [sflag:s0], s1  }
0x53: {  	s1 =	ssub.s32 @!p0 $0x0, s1;
	[sflag:s0] =	ssyncset.done @!p0 $0x0  }
0x54: {  	[sflag:s0] =	ssyncadd.s32 @!p0 s1  }
0x55: {  	[bflag:$0x3] =	sbarrier.arrive $0xFFFF  }
0x56: {  	_ =	shalt  }

// kernel: kernel.8.cloned.1.call-start
scs
__scs_entry_jumppad:
0x0: {  	(pc) =	sbr.rel $0x88, $3  }
0x1: {  	(tag) =	ssettag $0x0;
	lr =	simm.s32 $0x1  }
0x2: {  	[smem:$0x3F9D] =	sst lr;
	_ =	strace $0xD0000000  }
0x3: {  	_ = 	snop  }
0x4: {  	_ = 	snop  }
0x5: {  	_ = 	snop  }
0x6: {  	_ = 	snop  }
0x7: {  	_ = 	snop  }
__scs_overlays_trampoline_lowered:
0x8: {  	[smem:$0x3FAC] =	sst s0  }
0x9: {  	[smem:$0x3FAD] =	sst s1  }
0xa: {  	[smem:$0x3FAE] =	sst s2  }
0xb: {  	[smem:$0x3FAF] =	sst s3  }
0xc: {  	[smem:$0x3FB0] =	sst s4  }
0xd: {  	[smem:$0x3FB1] =	sst s5  }
0xe: {  	[smem:$0x3FB2] =	sst s6  }
0xf: {  	[smem:$0x3FB3] =	sst s7  }
0x10: {  	[smem:$0x3FB4] =	sst s8  }
0x11: {  	[smem:$0x3FB5] =	sst s9;
	s0 =	simm.s32 @!p0 $0x0  }
0x12: {  	s1 =	sld [smem:$0x3F9B];
	s0 =	simm.s32 @p0 $0x1  }
0x13: {  	[smem:$0x3FB6] =	sst s0;
	s0 =	simm.s32 @!p1 $0x0  }
0x14: {  	s2 =	sld [smem:$0x3F9A];
	s0 =	simm.s32 @p1 $0x1  }
0x15: {  	[smem:$0x3FB7] =	sst s0;
	s0 =	simm.s32 @!p2 $0x0  }
0x16: {  	s3 =	sld [smem:$0x3FDB];
	s0 =	simm.s32 @p2 $0x1  }
0x17: {  	s4 =	simm.s32 $0x1BF5;
	[smem:$0x3FB9] =	sst s0  }
0x18: {  	s0 =	sld [smem:$0x3F9C];
	_ =	swait.ge [sflag:s4], $0x0  }
0x19: {  	s7 =	sld [smem:$0x3F9D]  }
0x1a: {  	s8 =	sadd.s32 $0xFFFFE003, lr  }
0x1b: {  	s9 =	sadd.s32 $0xFFFFFEF7, lr;
	s5 =	simm.s32 $0xFFFFFFFF;
	p2 =	slt.u32 s8, $0xFFFFF086  }
0x1c: {  	p1 =	slt.u32 s9, $0xF7A;
	s5 =	simm.s32 @!p2 $0x0  }
0x1d: {  	s5 =	simm.s32 @p1 $0x1;
	p0 =	seq.s32 s7, s2  }
0x1e: {  	s7 =	smul.u32 @!p0 $0xF7A, s2;
	p2 =	seq.s32 @!p0 s5, $0x0  }
0x1f: {  	s9 =	smul.u32 $0xF7A, s1;
	s8 =	simm.s32 @!p0 $0x1BF5;
	p2 =	por !p2, p0  }
0x20: {  	[sflag:s8] =	ssyncset.s32 @!p0 $0xFFFFF086;
	s6 =	sadd.s32 @!p0 s3, s7;
	s7 =	simm.s32 @!p0 $0x108  }
0x21: {  	s3 =	sadd.s32 s3, s9;
	s6 =	sadd.s32 @!p0 $0x88, s6;
	s7 =	simm.s32 @p2 $0x1082  }
0x22: {  	[simem:s7], [sflag:s8] =	dma.local @!p0 [hbm:s6], $0xF7A  }
0x23: {  	s9 =	sor.u32 $0xD0000000, s2;
	s6 =	simm.s32 $0x108;
	_ =	swait.ge @!p0 [sflag:s8], $0x0  }
0x24: {  	s3 =	sadd.s32 $0x88, s3;
	s6 =	simm.s32 @!p1 $0x1082;
	[sflag:s4] =	ssyncset.s32 $0xFFFFF086  }
0x25: {  	[simem:s6], [sflag:s4] =	dma.local [hbm:s3], $0xF7A  }
0x26: {  	[smem:$0x3F9D] =	sst s1;
	(tag) =	ssettag s2;
	_ =	strace s9  }
0x27: {  	s1 =	sld [smem:$0x3FAD]  }
0x28: {  	s2 =	sld [smem:$0x3FAE]  }
0x29: {  	s4 =	sld [smem:$0x3FB0]  }
0x2a: {  	p0 =	seq.s32 s5, $0x0;
	s5 =	sld [smem:$0x3FB1]  }
0x2b: {  	s6 =	sld [smem:$0x3FB2]  }
0x2c: {  	s7 =	sld [smem:$0x3FB3]  }
0x2d: {  	s3 =	simm.s32 $0x108;
	s8 =	sld [smem:$0x3FB4]  }
0x2e: {  	s3 =	simm.s32 @!p0 $0x1082;
	s9 =	sld [smem:$0x3FB5]  }
0x2f: {  	lr =	sadd.s32 s0, s3;
	s0 =	sld [smem:$0x3FAC]  }
0x30: {  	s3 =	sld [smem:$0x3FAF]  }
0x31: {  	[smem:$0x3FB8] =	sst s10  }
0x32: {  	s10 =	sld [smem:$0x3FB6];
	_ =	sdelay $0x3  }
0x33: {  	p0 =	seq.s32 s10, $0x1;
	s10 =	sld [smem:$0x3FB8];
	_ =	sdelay $0x3  }
0x34: {  	[smem:$0x3FB8] =	sst s10  }
0x35: {  	s10 =	sld [smem:$0x3FB7];
	_ =	sdelay $0x3  }
0x36: {  	p1 =	seq.s32 s10, $0x1;
	s10 =	sld [smem:$0x3FB8];
	_ =	sdelay $0x3  }
0x37: {  	[smem:$0x3FB8] =	sst s10  }
0x38: {  	s10 =	sld [smem:$0x3FB9]  }
0x39: {  	_ = 	snop;
	(pc) =	sbr.ind lr, $3  }
0x3a: {  	_ = 	snop  }
0x3b: {  	_ = 	snop  }
0x3c: {  	p2 =	seq.s32 s10, $0x1;
	s10 =	sld [smem:$0x3FB8]  }
0x3d: {  	_ =	shalt  }
0x3e: {  	_ =	shalt  }
0x3f: {  	_ =	shalt  }
0x40: {  	_ =	shalt  }
0x41: {  	_ =	shalt  }
0x42: {  	_ =	shalt  }
0x43: {  	_ =	shalt  }
0x44: {  	_ =	shalt  }
0x45: {  	_ =	shalt  }
0x46: {  	_ =	shalt  }
0x47: {  	_ =	shalt  }
0x48: {  	_ =	shalt  }
0x49: {  	_ =	shalt  }
0x4a: {  	_ =	shalt  }
0x4b: {  	_ =	shalt  }
0x4c: {  	_ =	shalt  }
0x4d: {  	_ =	shalt  }
0x4e: {  	_ =	shalt  }
0x4f: {  	_ =	shalt  }
0x50: {  	_ =	shalt  }
0x51: {  	_ =	shalt  }
0x52: {  	_ =	shalt  }
0x53: {  	_ =	shalt  }
0x54: {  	_ =	shalt  }
0x55: {  	_ =	shalt  }
0x56: {  	_ =	shalt  }
0x57: {  	_ =	shalt  }
0x58: {  	_ =	shalt  }
0x59: {  	_ =	shalt  }
0x5a: {  	_ =	shalt  }
0x5b: {  	_ =	shalt  }
0x5c: {  	_ =	shalt  }
0x5d: {  	_ =	shalt  }
0x5e: {  	_ =	shalt  }
0x5f: {  	_ =	shalt  }
0x60: {  	_ =	shalt  }
0x61: {  	_ =	shalt  }
0x62: {  	_ =	shalt  }
0x63: {  	_ =	shalt  }
0x64: {  	_ =	shalt  }
0x65: {  	_ =	shalt  }
0x66: {  	_ =	shalt  }
0x67: {  	_ =	shalt  }
0x68: {  	_ =	shalt  }
0x69: {  	_ =	shalt  }
0x6a: {  	_ =	shalt  }
0x6b: {  	_ =	shalt  }
0x6c: {  	_ =	shalt  }
0x6d: {  	_ =	shalt  }
0x6e: {  	_ =	shalt  }
0x6f: {  	_ =	shalt  }
0x70: {  	_ =	shalt  }
0x71: {  	_ =	shalt  }
0x72: {  	_ =	shalt  }
0x73: {  	_ =	shalt  }
0x74: {  	_ =	shalt  }
0x75: {  	_ =	shalt  }
0x76: {  	_ =	shalt  }
0x77: {  	_ =	shalt  }
0x78: {  	_ =	shalt  }
0x79: {  	_ =	shalt  }
0x7a: {  	_ =	shalt  }
0x7b: {  	_ =	shalt  }
0x7c: {  	_ =	shalt  }
0x7d: {  	_ =	shalt  }
0x7e: {  	_ =	shalt  }
0x7f: {  	_ =	shalt  }
0x80: {  	_ =	shalt  }
0x81: {  	_ =	shalt  }
0x82: {  	_ =	shalt  }
0x83: {  	_ =	shalt  }
0x84: {  	_ =	shalt  }
0x85: {  	_ =	shalt  }
0x86: {  	_ =	shalt  }
0x87: {  	_ =	shalt  }
.Lfunc_end0:
.L_simem_size_0:
called_computation.1_lowered:
.L_overlay_start_0:
0x88: {  	s2 =	sld [smem:$0x3FD9]  }
0x89: {  	s3 =	sld [smem:$0x3FFE];
	_ =	sdelay $0x1  }
0x8a: {  	s1 =	srdreg.scid  }
0x8b: {  	s0 =	sand.u32 $0x1, s1  }
0x8c: {  	s17 =	sshll.u32 s0, $0xA;
	s2 =	sadd.s32 s3, s2  }
0x8d: {  	s2 =	sadd.s32 s2, s17  }
0x8e: {  	[smem:$0x3FC4] =	sst s2  }
0x8f: {  	_ = 	snop  }
0x90: {  	s18 =	sld [smem:$0x3FC6];
	(tm) =	ssettm $0x1  }
0x91: {  	s19 =	sld [smem:$0x3FFB];
	_ =	sdelay $0x3  }
0x92: {  	_ =	strace s19  }
0x93: {  	s2 =	sld [smem:$0x3FFC];
	_ =	sdelay $0x3  }
0x94: {  	_ =	strace s2  }
0x95: {  	s2 =	sld [smem:$0x3FFD];
	_ =	sdelay $0x3  }
0x96: {  	_ =	strace s2  }
0x97: {  	_ =	strace $0x8FFFFFFF  }
0x98: {  	s20 =	sld [smem:$0x3FDB];
	_ =	sdelay $0x1  }
0x99: {  	s4 =	simm.s32 $_scs_section_size  }
0x9a: {  	s5 =	simm.s32 $_size__tile_overlayer_lowered;
	s6 =	simm.s32 $_tile_overlayer_lowered  }
0x9b: {  	s7 =	simm.s32 $0x1BFF;
	s21 =	sshll.u32 s6, $0x1;
	s4 =	sadd.s32 s4, s20  }
0x9c: {  	s22 =	simm.s32 $0x0;
	s5 =	sshll.u32 s5, $0x1;
	s6 =	sadd.s32 s21, s4  }
0x9d: {  	[timem:s22], [sflag:s7] =	dma.local [hbm:s6], s5  }
0x9e: {  	_ =	swait.ge [sflag:s7], s5  }
0x9f: {  	s5 =	ssub.s32 $0x0, s5;
	[sflag:s7] =	ssyncset.done $0x0  }
0xa0: {  	[sflag:s7] =	ssyncadd.s32 s5;
	_ =	sdelay $0x1  }
0xa1: {  	s23 =	simm.s32 $0x1B8B  }
0xa2: {  	_ =	swait.ge [sflag:s23], $0x1  }
0xa3: {  	[sflag:s23] =	ssyncset.done $0x0  }
0xa4: {  	[sflag:s23] =	ssyncadd.s32 $0xFFFFFFFF  }
0xa5: {  	s5 =	sld [smem:$0x0]  }
0xa6: {  	s6 =	sand.u32 $0xFFFFFFFE, s1  }
0xa7: {  	p0 =	sne.s32 s1, s6  }
0xa8: {  	s6 =	sshll.u32 @p0 s6, $0xE  }
0xa9: {  	s6 =	sadd.s32 @p0 $0x11B8D, s6;
	s7 =	sshll.u32 @p0 s5, $0x11  }
0xaa: {  	s6 =	sor.u32 @p0 s7, s6  }
0xab: {  	[sflag:s6] =	ssyncadd.remote.s32 @p0 $0x1;
	_ =	sdelay $0x1  }
0xac: {  	s6 =	simm.s32 @p0 $0x1B8D  }
0xad: {  	_ =	swait.eq @p0 [sflag:s6], $0x1  }
0xae: {  	[sflag:s6] =	ssyncadd.s32 @p0 $0xFFFFFFFF  }
0xaf: {  	s7 =	sshll.u32 @!p0 s1, $0xE  }
0xb0: {  	s7 =	sor.u32 @!p0 $0x4000, s7;
	s6 =	simm.s32 @!p0 $0x1B8D  }
0xb1: {  	s5 =	sshll.u32 @!p0 s5, $0x11;
	s7 =	sadd.s32 @!p0 $0x11B8D, s7;
	_ =	swait.eq @!p0 [sflag:s6], $0x1  }
0xb2: {  	s5 =	sor.u32 @!p0 s5, s7;
	[sflag:s6] =	ssyncadd.s32 @!p0 $0xFFFFFFFF  }
0xb3: {  	s25 =	simm.s32 $0x1B8E;
	s24 =	sld [smem:$0x3FFE];
	[sflag:s5] =	ssyncadd.remote.s32 @!p0 $0x1  }
0xb4: {  	s26 =	simm.s32 $execute0_lowered;
	[smem:$0x3FD2] =	sst s25  }
0xb5: {  	s6 =	sshll.u32 s26, $0x1;
	_ =	strace $0x80000049;
	[dreg:$0x1] =	wrdreg $0xFFFFFFFF  }
0xb6: {  	s28 =	simm.s32 $_size_execute0_lowered;
	s4 =	sadd.s32 s4, s6;
	[dreg:$0x0] =	wrdreg $0x0  }
0xb7: {  	s6 =	sshll.u32 s28, $0x1;
	[dreg:$0x2] =	wrdreg s4  }
0xb8: {  	[dreg:$0x3] =	wrdreg s6  }
0xb9: {  	[dreg:$0x4] =	wrdreg $0xC0  }
0xba: {  	_ =	task [dreg:s22], $0x5FFFF  }
0xbb: {  	[dreg:$0x1] =	wrdreg $0xFFFFFFFF  }
0xbc: {  	[dreg:$0x0] =	wrdreg $0x60  }
0xbd: {  	[dreg:$0x2] =	wrdreg s18  }
0xbe: {  	[dreg:$0x3] =	wrdreg s24  }
0xbf: {  	[dreg:$0x4] =	wrdreg $0xA  }
0xc0: {  	_ =	task.clear_ibuf [dreg:s22], $0x5FFFF;
	_ =	strace $0x90000049  }
0xc1: {  	s29 =	simm.s32 $0xA;
	_ =	strace $0x8000004B  }
0xc2: {  	_ =	swait.ge [sflag:s29], $0x1  }
0xc3: {  	[sflag:s29] =	ssyncadd.s32 $0xFFFFFFFF  }
0xc4: {  	_ =	strace $0x9000004B  }
0xc5: {  	_ =	sfence  }
0xc6: {  	s30 =	sld [smem:$0x0];
	_ =	sdelay $0x2  }
0xc7: {  	s31 =	sshll.u32 s1, $0xD;
	s1 =	sshrl.u32 s1, $0x2  }
0xc8: {  	s4 =	sand.u32 $0x4000, s31;
	s1 =	sadd.s32 s1, s30  }
0xc9: {  	s0 =	sor.u32 s4, s0;
	s1 =	sshll.u32 s1, $0x11  }
0xca: {  	s0 =	sor.u32 s1, s0  }
0xcb: {  	s0 =	sadd.s32 $0x8F2B, s0  }
0xcc: {  	[sflag:s0] =	ssyncadd.remote.s32 $0x1  }
0xcd: {  	_ =	sfence.sel $0xFFFF  }
0xce: {  	[dreg:$0x0] =	wrdreg $0xFFFFFFFF;
	(pc) =	sbr.abs _section_cstart, $3  }
0xcf: {  	[dreg:$0x1] =	wrdreg $0xFFFFFFFF  }
0xd0: {  	_ =	task.clear_ibuf [dreg:s22], $0x2FFFF;
	_ =	strace $0x9FFFFFFF  }
0xd1: {  	(tm) =	ssettm $0x7FFFFFFF  }
tec
execute0_lowered:
.L_overlay_start_1:
0x0: {  	(tag) =	ssettag $0x1  }
0x1: {  	s6 =	rddreg [dreg:$0x0]  }
0x2: {  	s16 =	rddreg [dreg:$0x1]  }
0x3: {  	s0 =	rddreg [dreg:$0x2];
	s2 =	simm.s32 $0x0  }
0x4: {  	s4 =	srdreg.scid;
	s1 =	stileid.u32;
	s5 =	simm.s32 $0xC000  }
0x5: {  	[smem:$0x7FF] =	sst s2;
	s3 =	sadd.s32 $0x281600, s16;
	s15 =	sand.u32 $0x1, s4  }
0x6: {  	s26 =	sshll.u32 s1, $0x1;
	s4 =	simm.s32 $0x1;
	_ =	strace $0x8000004A  }
0x7: {  	[tilespmem:s5], [sflag:$0x1] =	stream.linear.gather [hbm4b:s3+s2], $0x2000, $0x38;
	[tilespmem:$0xE000] =	vst v63  }
0x8: {  	s10 =	sor.u32 s15, s26;
	_ =	swait.ge [sflag:s4], $0x2000  }
0x9: {  	s8 =	simm.s32 $0x10000;
	s7 =	sshll.u32 s10, $0x8;
	[sflag:s4] =	ssyncset.done $0x0  }
0xa: {  	s6 =	sadd.s32 s6, s7;
	s7 =	simm.s32 $0x800;
	[sflag:s4] =	ssyncadd.s32 $0xFFFFE000  }
0xb: {  	[tilespmem:s2], [sflag:$0x1] =	stream.strided.gather [hbm4b:s6+s7], $0x2000, s8, s7, $0x38;
	[tilespmem:$0xE000] =	vst v63  }
0xc: {  	_ =	swait.ge [sflag:s4], $0x2000  }
0xd: {  	[sflag:s4] =	ssyncset.done $0x0  }
0xe: {  	s17 =	sshrl.u32 s1, $0x2;
	s9 =	sadd.s32 $0x8000, s6;
	[sflag:s4] =	ssyncadd.s32 $0xFFFFE000  }
0xf: {  	[tilespmem:s2], [sflag:$0x1] =	stream.strided.gather [hbm4b:s9+s7], $0x2000, s8, s7, $0x38;
	[tilespmem:$0xE000] =	vst v63  }
0x10: {  	s12 =	smul.u32 $0xA0000, s17;
	_ =	swait.ge [sflag:s4], $0x2000  }
0x11: {  	s11 =	sshll.u32 s10, $0x7;
	s10 =	sadd.s32 $0x281A00, s16;
	[sflag:s4] =	ssyncset.done $0x0  }
0x12: {  	s18 =	sand.u32 $0x380, s11;
	s11 =	simm.s32 $0x2000;
	[sflag:s4] =	ssyncadd.s32 $0xFFFFE000  }
0x13: {  	[tilespmem:s11], [sflag:$0x1] =	stream.linear.gather [hbm4b:s10+s2], $0xA000, $0x38;
	[tilespmem:$0xE000] =	vst v63  }
0x14: {  	s13 =	simm.s32 $0x80;
	s19 =	sor.u32 s12, s18;
	_ =	swait.ge [sflag:s4], $0xA000  }
0x15: {  	s20 =	sadd.s32 $0x562E00, s16;
	s12 =	sshrl.u32 s19, $0x3;
	[sflag:s4] =	ssyncset.done $0x0  }
0x16: {  	s14 =	simm.s32 $0x400;
	s12 =	sadd.s32 s20, s12;
	[sflag:s4] =	ssyncadd.s32 $0xFFFF6000  }
0x17: {  	[hbm4b:s12+s13] =	stream.strided.scatter [tilespmem:s11], [sflag:$0x1], $0xA000, s14, s13, $0x38;
	[tilespmem:$0xE000] =	vst v63  }
0x18: {  	s29 =	ssub.s32 $0x2, s15;
	_ =	swait.ge [sflag:s4], $0xA000  }
0x19: {  	s17 =	sshll.u32 s17, $0x10;
	s30 =	sshrl.u32 s29, $0x1;
	[sflag:s4] =	ssyncset.done $0x0  }
0x1a: {  	s31 =	ssub.s32 s29, s30;
	s17 =	sor.u32 s17, s18;
	[sflag:s4] =	ssyncadd.s32 $0xFFFF6000  }
0x1b: {  	[tilespmem:s11], [sflag:$0x1] =	stream.linear.gather [hbm4b:s10+s2], $0xA000, $0x38;
	[tilespmem:$0xE000] =	vst v63  }
0x1c: {  	s19 =	sadd.s32 $0x50000, s19;
	s17 =	sshrl.u32 s17, $0x3;
	_ =	swait.ge [sflag:s4], $0xA000  }
0x1d: {  	s28 =	sshrl.u32 s19, $0x3;
	s16 =	sadd.s32 s17, s16;
	[sflag:s4] =	ssyncset.done $0x0  }
0x1e: {  	s17 =	smax.u32 s31, $0x1;
	s15 =	sadd.s32 s20, s28;
	[sflag:s4] =	ssyncadd.s32 $0xFFFF6000  }
0x1f: {  	[hbm4b:s15+s13] =	stream.strided.scatter [tilespmem:s11], [sflag:$0x1], $0xA000, s14, s13, $0x38;
	[tilespmem:$0xE000] =	vst v63  }
0x20: {  	p0 =	sne.s32 s17, $0x1;
	_ =	swait.ge [sflag:s4], $0xA000  }
.Ltmp0:
0x21: {  	[sflag:s4] =	ssyncset.done $0x0;
	(pc) =	sbr.rel @!p0 .LBB2_2-.Ltmp0, $4  }
0x22: {  	s16 =	sadd.s32 $0x55AE00, s16;
	[sflag:s4] =	ssyncadd.s32 $0xFFFF6000  }
0x23: {  	[hbm4b:s16+s13] =	stream.strided.scatter [tilespmem:s5], [sflag:$0x1], $0x2000, s14, s13, $0x38;
	[tilespmem:$0xE000] =	vst v63  }
0x24: {  	_ =	swait.ge [sflag:s4], $0x2000  }
0x25: {  	s17 =	sadd.s32 $0xFFFFFFFF, s17;
	[sflag:s4] =	ssyncset.done $0x0  }
.LBB2_1:
0x26: {  	p0 =	sne.s32 s17, $0x1;
	s17 =	sadd.s32 $0xFFFFFFFF, s17;
	[sflag:s4] =	ssyncadd.s32 $0xFFFFE000  }
0x27: {  	[tilespmem:s5], [sflag:$0x1] =	stream.linear.gather [hbm4b:s3+s2], $0x2000, $0x38;
	[tilespmem:$0xE000] =	vst v63  }
0x28: {  	_ =	swait.ge [sflag:s4], $0x2000  }
0x29: {  	[sflag:s4] =	ssyncset.done $0x0  }
0x2a: {  	[sflag:s4] =	ssyncadd.s32 $0xFFFFE000  }
0x2b: {  	[tilespmem:s2], [sflag:$0x1] =	stream.strided.gather [hbm4b:s6+s7], $0x2000, s8, s7, $0x38;
	[tilespmem:$0xE000] =	vst v63  }
0x2c: {  	_ =	swait.ge [sflag:s4], $0x2000  }
0x2d: {  	[sflag:s4] =	ssyncset.done $0x0  }
0x2e: {  	[sflag:s4] =	ssyncadd.s32 $0xFFFFE000  }
0x2f: {  	[tilespmem:s2], [sflag:$0x1] =	stream.strided.gather [hbm4b:s9+s7], $0x2000, s8, s7, $0x38;
	[tilespmem:$0xE000] =	vst v63  }
0x30: {  	_ =	swait.ge [sflag:s4], $0x2000  }
0x31: {  	[sflag:s4] =	ssyncset.done $0x0  }
0x32: {  	[sflag:s4] =	ssyncadd.s32 $0xFFFFE000  }
0x33: {  	[tilespmem:s11], [sflag:$0x1] =	stream.linear.gather [hbm4b:s10+s2], $0xA000, $0x38;
	[tilespmem:$0xE000] =	vst v63  }
0x34: {  	_ =	swait.ge [sflag:s4], $0xA000  }
0x35: {  	[sflag:s4] =	ssyncset.done $0x0  }
0x36: {  	[sflag:s4] =	ssyncadd.s32 $0xFFFF6000  }
0x37: {  	[hbm4b:s12+s13] =	stream.strided.scatter [tilespmem:s11], [sflag:$0x1], $0xA000, s14, s13, $0x38;
	[tilespmem:$0xE000] =	vst v63  }
0x38: {  	_ =	swait.ge [sflag:s4], $0xA000  }
0x39: {  	[sflag:s4] =	ssyncset.done $0x0  }
0x3a: {  	[sflag:s4] =	ssyncadd.s32 $0xFFFF6000  }
0x3b: {  	[tilespmem:s11], [sflag:$0x1] =	stream.linear.gather [hbm4b:s10+s2], $0xA000, $0x38;
	[tilespmem:$0xE000] =	vst v63  }
0x3c: {  	_ =	swait.ge [sflag:s4], $0xA000  }
0x3d: {  	[sflag:s4] =	ssyncset.done $0x0  }
0x3e: {  	[sflag:s4] =	ssyncadd.s32 $0xFFFF6000  }
0x3f: {  	[hbm4b:s15+s13] =	stream.strided.scatter [tilespmem:s11], [sflag:$0x1], $0xA000, s14, s13, $0x38;
	[tilespmem:$0xE000] =	vst v63  }
0x40: {  	_ =	swait.ge [sflag:s4], $0xA000  }
.Ltmp1:
0x41: {  	[sflag:s4] =	ssyncset.done $0x0;
	(pc) =	sbr.rel @p0 .LBB2_1-.Ltmp1, $4  }
0x42: {  	[sflag:s4] =	ssyncadd.s32 $0xFFFF6000  }
0x43: {  	[hbm4b:s16+s13] =	stream.strided.scatter [tilespmem:s5], [sflag:$0x1], $0x2000, s14, s13, $0x38;
	[tilespmem:$0xE000] =	vst v63  }
0x44: {  	_ =	swait.ge [sflag:s4], $0x2000  }
0x45: {  	[sflag:s4] =	ssyncset.done $0x0  }
.LBB2_2:
0x46: {  	[sflag:s4] =	ssyncadd.s32 $0xFFFFE000  }
0x47: {  	_ =	sfence.sel $0x180000  }
0x48: {  	[bflag:$0x0] =	sbarrier.arrive $0xFFFF  }
0x49: {  	p0 =	sne.s32 s1, $0x0;
	_ =	strace $0x9000004A  }
0x4a: {  	s0 =	sadd.s32 @!p0 $0x100000, s0;
	[bflag:$0x2] =	sbarrier.arrive $0xFFFF  }
0x4b: {  	[sflag:s0] =	ssyncadd.tile.s32 @!p0 $0x1;
	_ =	shalt  }
.Lfunc_end2:
_tile_overlayer_lowered:
.L_overlay_start_2:
0x4c: {  	(tag) =	ssettag $0x2  }
0x4d: {  	s0 =	rddreg [dreg:$0x0];
	s2 =	stileid.u32  }
0x4e: {  	s1 =	rddreg [dreg:$0x1];
	p0 =	sne.s32 s2, $0x0  }
0x4f: {  	s3 =	rddreg [dreg:$0x2];
	[bflag:$0x3] =	sbarrier.arrive $0xFFFF;
	s2 =	simm.s32 @!p0 $0x1C01  }
0x50: {  	[timem:s3], [sflag:s2] =	dma.local @!p0 [hbm:s0], s1  }
0x51: {  	s0 =	simm.s32 @!p0 $0x1  }
0x52: {  	_ =	swait.ge @!p0 [sflag:s0], s1  }
0x53: {  	s1 =	ssub.s32 @!p0 $0x0, s1;
	[sflag:s0] =	ssyncset.done @!p0 $0x0  }
0x54: {  	[sflag:s0] =	ssyncadd.s32 @!p0 s1  }
0x55: {  	[bflag:$0x3] =	sbarrier.arrive $0xFFFF  }
0x56: {  	_ =	shalt  }

</sc_bundles>
